<compile_context>
chip_gen: v7x
topology: tpu7x:2x2x1
jax: 0.10.2.dev20260603
libtpu: 0.0.44.dev20260713+nightly
codegen_flags: <defaults>
</compile_context>

<pallas_src>
import jax
import jax.numpy as jnp
from jax import lax
from jax.experimental import pallas as pl
from jax.experimental.pallas import tpu as pltpu
from jax.experimental.pallas import tpu_sc as plsc

N = 10000
E = 320000
D_IN = 128
D_HID = 64
D_OUT = 32

N_PAD = 10240
E_PAD = 327680
NC = 2
NS = 16
NW = NC * NS
EW = E_PAD // NW
CH = 256
ROWS_PER_SUB = N_PAD // NS
BR = 2000


def _proj1_body(x_ref, wl_ref, wr_ref, b_ref, p1_ref, r1_ref):
    xb = x_ref[...]
    p1_ref[...] = jnp.dot(xb, wl_ref[...], preferred_element_type=jnp.float32)
    r1_ref[...] = jnp.dot(xb, wr_ref[...], preferred_element_type=jnp.float32) + b_ref[...]


def _proj1(x, W1l, W1r, b1):
    grid = (N // BR,)
    return pl.pallas_call(
        _proj1_body,
        grid=grid,
        in_specs=[
            pl.BlockSpec((BR, D_IN), lambda i: (i, 0)),
            pl.BlockSpec((D_IN, D_HID), lambda i: (0, 0)),
            pl.BlockSpec((D_IN, D_HID), lambda i: (0, 0)),
            pl.BlockSpec((1, D_HID), lambda i: (0, 0)),
        ],
        out_specs=[
            pl.BlockSpec((BR, D_HID), lambda i: (i, 0)),
            pl.BlockSpec((BR, D_HID), lambda i: (i, 0)),
        ],
        out_shape=[
            jax.ShapeDtypeStruct((N, D_HID), jnp.float32),
            jax.ShapeDtypeStruct((N, D_HID), jnp.float32),
        ],
    )(x, W1l, W1r, b1.reshape(1, D_HID))


NCH0 = 56
NCH1 = 24
NCHMAX = max(NCH0, NCH1)
C1OFF = NS * NCH0
TOT_CHUNKS = NS * (NCH0 + NCH1)
ALLOC_CHUNKS = TOT_CHUNKS + max(0, NCHMAX - min(NCH0, NCH1))
E_ALLOC = ALLOC_CHUNKS * CH
NB = 3
LA = 2


def _make_seg_body(with_deg):
    def body(*refs):
        if with_deg:
            (src2_hbm, dst2_hbm, tbl_hbm, z2_hbm, z1_hbm,
             agg_out, deg_out,
             idx_src, idx_dst, rows, ones_buf, acc_sh, deg_sh,
             semg, sems, semd) = refs
        else:
            (src2_hbm, dst2_hbm, tbl_hbm, z2_hbm,
             agg_out,
             idx_src, idx_dst, rows, acc_sh,
             semg, sems) = refs

        c = lax.axis_index("c")
        s = lax.axis_index("s")
        nch = lax.select(c == 0, NCH0, NCH1)
        slab = lax.select(c == 0, s * NCH0, C1OFF + s * NCH1)
        r0 = s * ROWS_PER_SUB
        row_slice = pl.ds(r0, ROWS_PER_SUB)

        pltpu.sync_copy(z2_hbm.at[row_slice], acc_sh.at[row_slice])
        if with_deg:
            pltpu.sync_copy(z1_hbm.at[row_slice], deg_sh.at[row_slice])
            for i in range(CH // 16):
                ones_buf[pl.ds(i * 16, 16)] = jnp.ones((16,), jnp.float32)
        plsc.subcore_barrier()

        pltpu.sync_copy(src2_hbm.at[pl.ds(slab, NCHMAX)], idx_src)
        pltpu.sync_copy(dst2_hbm.at[pl.ds(slab, NCHMAX)], idx_dst)

        for b in range(LA):
            pltpu.async_copy(tbl_hbm.at[idx_src.at[b]], rows.at[b], semg.at[b])

        def turn(j, carry):
            b = j % NB
            pltpu.make_async_copy(tbl_hbm.at[idx_src.at[j]], rows.at[b], semg.at[b]).wait()
            pltpu.async_copy(rows.at[b], acc_sh.at[idx_dst.at[j]], sems.at[b], add=True)
            if with_deg:
                pltpu.async_copy(ones_buf, deg_sh.at[idx_dst.at[j]], semd, add=True)
            nx = j + LA
            b2 = nx % NB

            @pl.when(nx < nch)
            def _rearm():
                @pl.when(nx >= NB)
                def _wait_prev_scatter():
                    pltpu.make_async_copy(rows.at[b2], acc_sh.at[idx_dst.at[nx - NB]],
                                          sems.at[b2]).wait()
                pltpu.async_copy(tbl_hbm.at[idx_src.at[nx]], rows.at[b2], semg.at[b2])
            return carry

        lax.fori_loop(0, nch, turn, None)

        def drain(i, carry):
            j = nch - NB + i
            b = j % NB
            pltpu.make_async_copy(rows.at[b], acc_sh.at[idx_dst.at[j]], sems.at[b]).wait()
            return carry
        lax.fori_loop(0, NB, drain, None)

        if with_deg:
            def dw(j, carry):
                pltpu.make_async_copy(ones_buf, deg_sh.at[idx_dst.at[0]], semd).wait()
                return carry
            lax.fori_loop(0, nch, dw, None)

        plsc.subcore_barrier()
        pltpu.sync_copy(acc_sh.at[row_slice], agg_out.at[c, row_slice])
        if with_deg:
            pltpu.sync_copy(deg_sh.at[row_slice], deg_out.at[c, row_slice])
    return body


_seg_body_deg = _make_seg_body(True)
_seg_body_nodeg = _make_seg_body(False)


def _segsum_deg(src, dst, tbl, z2, z1):
    mesh = plsc.VectorSubcoreMesh(core_axis_name="c", subcore_axis_name="s")
    D = tbl.shape[1]
    return pl.kernel(
        _seg_body_deg,
        out_type=(
            jax.ShapeDtypeStruct((NC, N_PAD, D), jnp.float32),
            jax.ShapeDtypeStruct((NC, N_PAD), jnp.float32),
        ),
        mesh=mesh,
        compiler_params=pltpu.CompilerParams(use_tc_tiling_on_sc=False),
        scratch_types=[
            pltpu.VMEM((NCHMAX, CH), jnp.int32),
            pltpu.VMEM((NCHMAX, CH), jnp.int32),
            pltpu.VMEM((NB, CH, D), jnp.float32),
            pltpu.VMEM((CH,), jnp.float32),
            pltpu.VMEM_SHARED((N_PAD, D), jnp.float32),
            pltpu.VMEM_SHARED((N_PAD,), jnp.float32),
            pltpu.SemaphoreType.DMA((NB,)),
            pltpu.SemaphoreType.DMA((NB,)),
            pltpu.SemaphoreType.DMA,
        ],
    )(src, dst, tbl, z2, z1)


def _segsum_nodeg(src, dst, tbl, z2):
    mesh = plsc.VectorSubcoreMesh(core_axis_name="c", subcore_axis_name="s")
    D = tbl.shape[1]
    return pl.kernel(
        _seg_body_nodeg,
        out_type=jax.ShapeDtypeStruct((NC, N_PAD, D), jnp.float32),
        mesh=mesh,
        compiler_params=pltpu.CompilerParams(use_tc_tiling_on_sc=False),
        scratch_types=[
            pltpu.VMEM((NCHMAX, CH), jnp.int32),
            pltpu.VMEM((NCHMAX, CH), jnp.int32),
            pltpu.VMEM((NB, CH, D), jnp.float32),
            pltpu.VMEM_SHARED((N_PAD, D), jnp.float32),
            pltpu.SemaphoreType.DMA((NB,)),
            pltpu.SemaphoreType.DMA((NB,)),
        ],
    )(src, dst, tbl, z2)


def _mid_body(agg_ref, deg_ref, r1_ref, wl_ref, wr_ref, b_ref,
              p2_ref, r2_ref, rc_ref):
    rcp = 1.0 / jnp.maximum(deg_ref[0] + deg_ref[1], 1.0)
    h = jnp.maximum((agg_ref[0] + agg_ref[1]) * rcp + r1_ref[...], 0.0)
    p2_ref[...] = jnp.dot(h, wl_ref[...], preferred_element_type=jnp.float32)
    r2_ref[...] = jnp.dot(h, wr_ref[...], preferred_element_type=jnp.float32) + b_ref[...]
    rc_ref[...] = rcp


def _mid(agg1, deg3, r1, W2l, W2r, b2):
    grid = (N // BR,)
    return pl.pallas_call(
        _mid_body,
        grid=grid,
        in_specs=[
            pl.BlockSpec((NC, BR, D_HID), lambda i: (0, i, 0)),
            pl.BlockSpec((NC, BR, 1), lambda i: (0, i, 0)),
            pl.BlockSpec((BR, D_HID), lambda i: (i, 0)),
            pl.BlockSpec((D_HID, D_OUT), lambda i: (0, 0)),
            pl.BlockSpec((D_HID, D_OUT), lambda i: (0, 0)),
            pl.BlockSpec((1, D_OUT), lambda i: (0, 0)),
        ],
        out_specs=[
            pl.BlockSpec((BR, D_OUT), lambda i: (i, 0)),
            pl.BlockSpec((BR, D_OUT), lambda i: (i, 0)),
            pl.BlockSpec((BR, 1), lambda i: (i, 0)),
        ],
        out_shape=[
            jax.ShapeDtypeStruct((N, D_OUT), jnp.float32),
            jax.ShapeDtypeStruct((N, D_OUT), jnp.float32),
            jax.ShapeDtypeStruct((N, 1), jnp.float32),
        ],
    )(agg1, deg3, r1, W2l, W2r, b2.reshape(1, D_OUT))


def _fin_body(agg_ref, rc_ref, r2_ref, out_ref):
    out_ref[...] = (agg_ref[0] + agg_ref[1]) * rc_ref[...] + r2_ref[...]


def _fin(agg2, rc, r2):
    grid = (N // BR,)
    return pl.pallas_call(
        _fin_body,
        grid=grid,
        in_specs=[
            pl.BlockSpec((NC, BR, D_OUT), lambda i: (0, i, 0)),
            pl.BlockSpec((BR, 1), lambda i: (i, 0)),
            pl.BlockSpec((BR, D_OUT), lambda i: (i, 0)),
        ],
        out_specs=pl.BlockSpec((BR, D_OUT), lambda i: (i, 0)),
        out_shape=jax.ShapeDtypeStruct((N, D_OUT), jnp.float32),
    )(agg2, rc, r2)


def kernel(x, edge_index, W1l, W1r, b1, W2l, W2r, b2):
    src = jnp.pad(edge_index[0], (0, E_ALLOC - E)).reshape(ALLOC_CHUNKS, CH)
    dst = jnp.pad(edge_index[1], (0, E_ALLOC - E),
                  constant_values=N_PAD - 1).reshape(ALLOC_CHUNKS, CH)
    z2 = jnp.zeros((N_PAD, D_HID), jnp.float32)
    z2s = jnp.zeros((N_PAD, D_OUT), jnp.float32)
    z1 = jnp.zeros((N_PAD,), jnp.float32)

    p1, r1 = _proj1(x, W1l, W1r, b1)
    agg1, deg = _segsum_deg(src, dst, p1, z2, z1)
    p2, r2, rc = _mid(agg1, deg.reshape(NC, N_PAD, 1), r1, W2l, W2r, b2)
    agg2 = _segsum_nodeg(src, dst, p2, z2s)
    return _fin(agg2, rc, r2)

# --- scband reference (transcript-rebuilt; emitter-appended) ---
"""Pipeline reference for scband-trust-gnn-80023830659560 (READ-ONLY COPY).

The authoritative reference and input builder live on the scoring server;
editing this copy changes nothing except your own understanding.
"""

import jax, jax.numpy as jnp
import numpy as np

N = 10000
E = 320000
D_IN = 128
D_HID = 64
D_OUT = 32


def setup_inputs(seed: int = 0) -> dict:
    key = jax.random.key(seed)
    ks = jax.random.split(key, 9)
    x = jax.random.normal(ks[0], (N, D_IN), dtype=jnp.float32)
    edge_index = jax.random.randint(ks[1], (2, E), 0, N, dtype=jnp.int32)
    # SAGEConv layer 1 params: lin_l (applied to aggregated neighbors, has bias), lin_r (root)
    W1l = jax.random.normal(ks[2], (D_IN, D_HID), dtype=jnp.float32) * (1.0 / np.sqrt(D_IN))
    W1r = jax.random.normal(ks[3], (D_IN, D_HID), dtype=jnp.float32) * (1.0 / np.sqrt(D_IN))
    b1 = jnp.zeros((D_HID,), dtype=jnp.float32)
    # SAGEConv layer 2 params
    W2l = jax.random.normal(ks[4], (D_HID, D_OUT), dtype=jnp.float32) * (1.0 / np.sqrt(D_HID))
    W2r = jax.random.normal(ks[5], (D_HID, D_OUT), dtype=jnp.float32) * (1.0 / np.sqrt(D_HID))
    b2 = jnp.zeros((D_OUT,), dtype=jnp.float32)
    return {"x": x, "edge_index": edge_index, "W1l": W1l, "W1r": W1r, "b1": b1,
            "W2l": W2l, "W2r": W2r, "b2": b2}


def _sage_conv(h, src, dst, Wl, Wr, b):
    # PyG SAGEConv with mean aggregation: out = lin_l(mean_{j in N(i)} x_j) + lin_r(x_i)
    msg = h[src]  # gather source node features along edges
    agg = jax.ops.segment_sum(msg, dst, num_segments=N)
    deg = jax.ops.segment_sum(jnp.ones((src.shape[0],), dtype=h.dtype), dst, num_segments=N)
    mean = agg / jnp.maximum(deg, 1.0)[:, None]
    return mean @ Wl + h @ Wr + b


def reference(x, edge_index, W1l, W1r, b1, W2l, W2r, b2):
    src = edge_index[0]
    dst = edge_index[1]
    h = _sage_conv(x, src, dst, W1l, W1r, b1)
    h = jax.nn.relu(h)
    # dropout p=0.3 is identity in eval mode
    out = _sage_conv(h, src, dst, W2l, W2r, b2)
    return out

if __name__ == "__main__":
    import jax
    _d = setup_inputs()
    print(jax.jit(kernel)(*tuple(_d.values())))

</pallas_src>

<mosaic_0001>
#map = affine_map<(d0, d1) -> (0, 0)>
#map1 = affine_map<(d0, d1) -> (0, 0, 0)>
module attributes {stable_mosaic.version = 14 : i64} {
  func.func @body(%arg0: i32, %arg1: i32, %arg2: memref<1312x256xi32, #tpu.memory_space<hbm>>, %arg3: memref<1312x256xi32, #tpu.memory_space<hbm>>, %arg4: memref<10000x32xf32, #tpu.memory_space<hbm>>, %arg5: memref<10240x32xf32, #tpu.memory_space<hbm>>, %arg6: memref<2x10240x32xf32, #tpu.memory_space<hbm>>, %arg7: memref<56x256xi32, #tpu.memory_space<vmem>>, %arg8: memref<56x256xi32, #tpu.memory_space<vmem>>, %arg9: memref<3x256x32xf32, #tpu.memory_space<vmem>>, %arg10: memref<10240x32xf32, #tpu.memory_space<vmem_shared>>, %arg11: memref<3x!tpu.dma_semaphore, #tpu.memory_space<semaphore_mem>>, %arg12: memref<3x!tpu.dma_semaphore, #tpu.memory_space<semaphore_mem>>) attributes {dimension_semantics = [#tpu.dimension_semantics<core_parallel>, #tpu.dimension_semantics<subcore_parallel>], iteration_bounds = array<i64: 2, 16>, scalar_prefetch = 0 : i64, scratch_operands = 6 : i64, tpu.core_type = #tpu.core_type<sc_vector_subcore>, window_params = [{transform_indices = #map}, {transform_indices = #map}, {transform_indices = #map}, {transform_indices = #map}, {transform_indices = #map1}]} {
    %eq3A = arith.constant 0 : i32
    %eq3A_0 = arith.cmpi eq, %arg0, %eq3A : i32
    %select_n3A = arith.constant 24 : i32
    %select_n3A_1 = arith.constant 56 : i32
    %select_n3A_2 = arith.select %eq3A_0, %select_n3A_1, %select_n3A : i32
    %eq3A_3 = arith.constant 0 : i32
    %eq3A_4 = arith.cmpi eq, %arg0, %eq3A_3 : i32
    %mul3A = arith.constant 56 : i32
    %mul3A_5 = arith.muli %arg1, %mul3A : i32
    %mul3A_6 = arith.constant 24 : i32
    %mul3A_7 = arith.muli %arg1, %mul3A_6 : i32
    %add3A = arith.constant 896 : i32
    %add3A_8 = arith.addi %add3A, %mul3A_7 : i32
    %select_n3A_9 = arith.select %eq3A_4, %mul3A_5, %add3A_8 : i32
    %mul3A_10 = arith.constant 640 : i32
    %mul3A_11 = arith.muli %arg1, %mul3A_10 : i32
    "tpu.region"() ({
      %run_scoped3A = tpu.sem_alloc : memref<!tpu.dma_semaphore, #tpu.memory_space<semaphore_mem>>
      %dma_start3A_54 = arith.constant 0 : i32
      %dma_start3A_55 = tpu.memref_slice %arg10[%mul3A_11, %dma_start3A_54] : memref<10240x32xf32, #tpu.memory_space<vmem_shared>> -> memref<640x32xf32, #tpu.memory_space<vmem_shared>>
      %dma_start3A_56 = arith.constant 0 : i32
      %dma_start3A_57 = tpu.memref_slice %arg5[%mul3A_11, %dma_start3A_56] : memref<10240x32xf32, #tpu.memory_space<hbm>> -> memref<640x32xf32, #tpu.memory_space<hbm>>
      tpu.enqueue_dma source(%dma_start3A_57 : memref<640x32xf32, #tpu.memory_space<hbm>>) target(%dma_start3A_55 : memref<640x32xf32, #tpu.memory_space<vmem_shared>>) target_semaphore(%run_scoped3A : memref<!tpu.dma_semaphore, #tpu.memory_space<semaphore_mem>>)
      %dma_wait3A = arith.constant 0 : i32
      %dma_wait3A_58 = tpu.memref_slice %arg10[%mul3A_11, %dma_wait3A] : memref<10240x32xf32, #tpu.memory_space<vmem_shared>> -> memref<640x32xf32, #tpu.memory_space<vmem_shared>>
      %dma_wait3A_59 = arith.constant 0 : i32
      %dma_wait3A_60 = tpu.memref_slice %arg5[%mul3A_11, %dma_wait3A_59] : memref<10240x32xf32, #tpu.memory_space<hbm>> -> memref<640x32xf32, #tpu.memory_space<hbm>>
      tpu.wait_dma2 semaphore(%run_scoped3A : memref<!tpu.dma_semaphore, #tpu.memory_space<semaphore_mem>>) src(%dma_wait3A_60 : memref<640x32xf32, #tpu.memory_space<hbm>>) dst(%dma_wait3A_58 : memref<640x32xf32, #tpu.memory_space<vmem_shared>>)
      tpu.yield
    }) : () -> ()
    %barrier3A = arith.constant 0 : index
    tpu.barrier barrier_id(%barrier3A)
    "tpu.region"() ({
      %run_scoped3A = tpu.sem_alloc : memref<!tpu.dma_semaphore, #tpu.memory_space<semaphore_mem>>
      %dma_start3A_54 = arith.constant 0 : i32
      %dma_start3A_55 = tpu.memref_slice %arg2[%select_n3A_9, %dma_start3A_54] : memref<1312x256xi32, #tpu.memory_space<hbm>> -> memref<56x256xi32, #tpu.memory_space<hbm>>
      %dma_start3A_56 = arith.constant 0 : i32
      %dma_start3A_57 = tpu.memref_slice %arg2[%select_n3A_9, %dma_start3A_56] : memref<1312x256xi32, #tpu.memory_space<hbm>> -> memref<56x256xi32, #tpu.memory_space<hbm>>
      tpu.enqueue_dma source(%dma_start3A_57 : memref<56x256xi32, #tpu.memory_space<hbm>>) target(%arg7 : memref<56x256xi32, #tpu.memory_space<vmem>>) target_semaphore(%run_scoped3A : memref<!tpu.dma_semaphore, #tpu.memory_space<semaphore_mem>>)
      %dma_wait3A = arith.constant 0 : i32
      %dma_wait3A_58 = tpu.memref_slice %arg2[%select_n3A_9, %dma_wait3A] : memref<1312x256xi32, #tpu.memory_space<hbm>> -> memref<56x256xi32, #tpu.memory_space<hbm>>
      %dma_wait3A_59 = arith.constant 0 : i32
      %dma_wait3A_60 = tpu.memref_slice %arg2[%select_n3A_9, %dma_wait3A_59] : memref<1312x256xi32, #tpu.memory_space<hbm>> -> memref<56x256xi32, #tpu.memory_space<hbm>>
      tpu.wait_dma2 semaphore(%run_scoped3A : memref<!tpu.dma_semaphore, #tpu.memory_space<semaphore_mem>>) src(%dma_wait3A_60 : memref<56x256xi32, #tpu.memory_space<hbm>>) dst(%arg7 : memref<56x256xi32, #tpu.memory_space<vmem>>)
      tpu.yield
    }) : () -> ()
    "tpu.region"() ({
      %run_scoped3A = tpu.sem_alloc : memref<!tpu.dma_semaphore, #tpu.memory_space<semaphore_mem>>
      %dma_start3A_54 = arith.constant 0 : i32
      %dma_start3A_55 = tpu.memref_slice %arg3[%select_n3A_9, %dma_start3A_54] : memref<1312x256xi32, #tpu.memory_space<hbm>> -> memref<56x256xi32, #tpu.memory_space<hbm>>
      %dma_start3A_56 = arith.constant 0 : i32
      %dma_start3A_57 = tpu.memref_slice %arg3[%select_n3A_9, %dma_start3A_56] : memref<1312x256xi32, #tpu.memory_space<hbm>> -> memref<56x256xi32, #tpu.memory_space<hbm>>
      tpu.enqueue_dma source(%dma_start3A_57 : memref<56x256xi32, #tpu.memory_space<hbm>>) target(%arg8 : memref<56x256xi32, #tpu.memory_space<vmem>>) target_semaphore(%run_scoped3A : memref<!tpu.dma_semaphore, #tpu.memory_space<semaphore_mem>>)
      %dma_wait3A = arith.constant 0 : i32
      %dma_wait3A_58 = tpu.memref_slice %arg3[%select_n3A_9, %dma_wait3A] : memref<1312x256xi32, #tpu.memory_space<hbm>> -> memref<56x256xi32, #tpu.memory_space<hbm>>
      %dma_wait3A_59 = arith.constant 0 : i32
      %dma_wait3A_60 = tpu.memref_slice %arg3[%select_n3A_9, %dma_wait3A_59] : memref<1312x256xi32, #tpu.memory_space<hbm>> -> memref<56x256xi32, #tpu.memory_space<hbm>>
      tpu.wait_dma2 semaphore(%run_scoped3A : memref<!tpu.dma_semaphore, #tpu.memory_space<semaphore_mem>>) src(%dma_wait3A_60 : memref<56x256xi32, #tpu.memory_space<hbm>>) dst(%arg8 : memref<56x256xi32, #tpu.memory_space<vmem>>)
      tpu.yield
    }) : () -> ()
    %dma_start3A = arith.constant 0 : i32
    %dma_start3A_12 = arith.constant 0 : i32
    %dma_start3A_13 = arith.constant 0 : i32
    %dma_start3A_14 = arith.constant 0 : i32
    %dma_start3A_15 = arith.constant 0 : i32
    %dma_start3A_16 = tpu.memref_slice %arg9[%dma_start3A_12, %dma_start3A_14, %dma_start3A_15] : memref<3x256x32xf32, #tpu.memory_space<vmem>> -> memref<1x256x32xf32, #tpu.memory_space<vmem>>
    %dma_start3A_17 = tpu.memref_squeeze %dma_start3A_16 : memref<1x256x32xf32, #tpu.memory_space<vmem>> -> memref<256x32xf32, #tpu.memory_space<vmem>>
    %dma_start3A_18 = arith.constant 0 : i32
    %dma_start3A_19 = tpu.memref_slice %arg7[%dma_start3A, %dma_start3A_18] : memref<56x256xi32, #tpu.memory_space<vmem>> -> memref<1x256xi32, #tpu.memory_space<vmem>>
    %dma_start3A_20 = tpu.memref_squeeze %dma_start3A_19 : memref<1x256xi32, #tpu.memory_space<vmem>> -> memref<256xi32, #tpu.memory_space<vmem>>
    %dma_start3A_21 = arith.constant 0 : i32
    %dma_start3A_22 = arith.constant 0 : i32
    %dma_start3A_23 = tpu.memref_slice %arg4[%dma_start3A_21, %dma_start3A_22] : memref<10000x32xf32, #tpu.memory_space<hbm>> -> memref<10000x32xf32, #tpu.memory_space<hbm>>
    %dma_start3A_24 = tpu.memref_slice %arg11[%dma_start3A_13] : memref<3x!tpu.dma_semaphore, #tpu.memory_space<semaphore_mem>> -> memref<1x!tpu.dma_semaphore, #tpu.memory_space<semaphore_mem>>
    %dma_start3A_25 = tpu.memref_squeeze %dma_start3A_24 : memref<1x!tpu.dma_semaphore, #tpu.memory_space<semaphore_mem>> -> memref<!tpu.dma_semaphore, #tpu.memory_space<semaphore_mem>>
    tpu.enqueue_indirect_dma source(%dma_start3A_23 : memref<10000x32xf32, #tpu.memory_space<hbm>>) target(%dma_start3A_17 : memref<256x32xf32, #tpu.memory_space<vmem>>) offsets(%dma_start3A_20 : memref<256xi32, #tpu.memory_space<vmem>>) semaphore(%dma_start3A_25 : memref<!tpu.dma_semaphore, #tpu.memory_space<semaphore_mem>>)
    %dma_start3A_26 = arith.constant 1 : i32
    %dma_start3A_27 = arith.constant 1 : i32
    %dma_start3A_28 = arith.constant 1 : i32
    %dma_start3A_29 = arith.constant 0 : i32
    %dma_start3A_30 = arith.constant 0 : i32
    %dma_start3A_31 = tpu.memref_slice %arg9[%dma_start3A_27, %dma_start3A_29, %dma_start3A_30] : memref<3x256x32xf32, #tpu.memory_space<vmem>> -> memref<1x256x32xf32, #tpu.memory_space<vmem>>
    %dma_start3A_32 = tpu.memref_squeeze %dma_start3A_31 : memref<1x256x32xf32, #tpu.memory_space<vmem>> -> memref<256x32xf32, #tpu.memory_space<vmem>>
    %dma_start3A_33 = arith.constant 0 : i32
    %dma_start3A_34 = tpu.memref_slice %arg7[%dma_start3A_26, %dma_start3A_33] : memref<56x256xi32, #tpu.memory_space<vmem>> -> memref<1x256xi32, #tpu.memory_space<vmem>>
    %dma_start3A_35 = tpu.memref_squeeze %dma_start3A_34 : memref<1x256xi32, #tpu.memory_space<vmem>> -> memref<256xi32, #tpu.memory_space<vmem>>
    %dma_start3A_36 = arith.constant 0 : i32
    %dma_start3A_37 = arith.constant 0 : i32
    %dma_start3A_38 = tpu.memref_slice %arg4[%dma_start3A_36, %dma_start3A_37] : memref<10000x32xf32, #tpu.memory_space<hbm>> -> memref<10000x32xf32, #tpu.memory_space<hbm>>
    %dma_start3A_39 = tpu.memref_slice %arg11[%dma_start3A_28] : memref<3x!tpu.dma_semaphore, #tpu.memory_space<semaphore_mem>> -> memref<1x!tpu.dma_semaphore, #tpu.memory_space<semaphore_mem>>
    %dma_start3A_40 = tpu.memref_squeeze %dma_start3A_39 : memref<1x!tpu.dma_semaphore, #tpu.memory_space<semaphore_mem>> -> memref<!tpu.dma_semaphore, #tpu.memory_space<semaphore_mem>>
    tpu.enqueue_indirect_dma source(%dma_start3A_38 : memref<10000x32xf32, #tpu.memory_space<hbm>>) target(%dma_start3A_32 : memref<256x32xf32, #tpu.memory_space<vmem>>) offsets(%dma_start3A_35 : memref<256xi32, #tpu.memory_space<vmem>>) semaphore(%dma_start3A_40 : memref<!tpu.dma_semaphore, #tpu.memory_space<semaphore_mem>>)
    %while3A = arith.constant 0 : i32
    %while3A_41 = arith.subi %select_n3A_2, %while3A : i32
    %while3A_42 = arith.addi %while3A, %while3A_41 : i32
    %while3A_43 = arith.constant 1 : i32
    %while3A_44 = arith.divsi %while3A_41, %while3A_43 : i32
    %while3A_45 = arith.muli %while3A_44, %while3A_43 : i32
    %while3A_46 = arith.addi %while3A, %while3A_45 : i32
    %while3A_47 = arith.constant 1 : i32
    scf.for %while3A_54 = %while3A to %while3A_46 step %while3A_47  : i32 {
      %jit3A = arith.constant 3 : i32
      %eq3A_55 = arith.constant 0 : i32
      %eq3A_56 = arith.cmpi eq, %jit3A, %eq3A_55 : i32
      %jit3A_57 = arith.constant 1 : i32
      %select_n3A_58 = arith.select %eq3A_56, %jit3A_57, %jit3A : i32
      %rem3A = arith.remsi %while3A_54, %select_n3A_58 : i32
      %ne3A = arith.constant 0 : i32
      %ne3A_59 = arith.cmpi ne, %rem3A, %ne3A : i32
      %lt3A = arith.constant 0 : i32
      %lt3A_60 = arith.cmpi slt, %rem3A, %lt3A : i32
      %lt3A_61 = arith.constant 0 : i32
      %lt3A_62 = arith.cmpi slt, %select_n3A_58, %lt3A_61 : i32
      %ne3A_63 = arith.xori %lt3A_60, %lt3A_62 : i1
      %and3A = arith.andi %ne3A_63, %ne3A_59 : i1
      %add3A_64 = arith.addi %rem3A, %select_n3A_58 : i32
      %select_n3A_65 = arith.select %and3A, %add3A_64, %rem3A : i32
      %dma_wait3A = arith.constant 0 : i32
      %dma_wait3A_66 = arith.constant 0 : i32
      %dma_wait3A_67 = tpu.memref_slice %arg9[%select_n3A_65, %dma_wait3A, %dma_wait3A_66] : memref<3x256x32xf32, #tpu.memory_space<vmem>> -> memref<1x256x32xf32, #tpu.memory_space<vmem>>
      %dma_wait3A_68 = tpu.memref_squeeze %dma_wait3A_67 : memref<1x256x32xf32, #tpu.memory_space<vmem>> -> memref<256x32xf32, #tpu.memory_space<vmem>>
      %dma_wait3A_69 = arith.constant 0 : i32
      %dma_wait3A_70 = tpu.memref_slice %arg7[%while3A_54, %dma_wait3A_69] : memref<56x256xi32, #tpu.memory_space<vmem>> -> memref<1x256xi32, #tpu.memory_space<vmem>>
      %dma_wait3A_71 = tpu.memref_squeeze %dma_wait3A_70 : memref<1x256xi32, #tpu.memory_space<vmem>> -> memref<256xi32, #tpu.memory_space<vmem>>
      %dma_wait3A_72 = arith.constant 0 : i32
      %dma_wait3A_73 = arith.constant 0 : i32
      %dma_wait3A_74 = tpu.memref_slice %arg4[%dma_wait3A_72, %dma_wait3A_73] : memref<10000x32xf32, #tpu.memory_space<hbm>> -> memref<10000x32xf32, #tpu.memory_space<hbm>>
      %dma_wait3A_75 = tpu.memref_slice %arg11[%select_n3A_65] : memref<3x!tpu.dma_semaphore, #tpu.memory_space<semaphore_mem>> -> memref<1x!tpu.dma_semaphore, #tpu.memory_space<semaphore_mem>>
      %dma_wait3A_76 = tpu.memref_squeeze %dma_wait3A_75 : memref<1x!tpu.dma_semaphore, #tpu.memory_space<semaphore_mem>> -> memref<!tpu.dma_semaphore, #tpu.memory_space<semaphore_mem>>
      tpu.wait_indirect_dma semaphore(%dma_wait3A_76 : memref<!tpu.dma_semaphore, #tpu.memory_space<semaphore_mem>>) src(%dma_wait3A_74 : memref<10000x32xf32, #tpu.memory_space<hbm>>) dst(%dma_wait3A_68 : memref<256x32xf32, #tpu.memory_space<vmem>>)
      %dma_start3A_77 = arith.constant 0 : i32
      %dma_start3A_78 = arith.constant 0 : i32
      %dma_start3A_79 = tpu.memref_slice %arg9[%select_n3A_65, %dma_start3A_77, %dma_start3A_78] : memref<3x256x32xf32, #tpu.memory_space<vmem>> -> memref<1x256x32xf32, #tpu.memory_space<vmem>>
      %dma_start3A_80 = tpu.memref_squeeze %dma_start3A_79 : memref<1x256x32xf32, #tpu.memory_space<vmem>> -> memref<256x32xf32, #tpu.memory_space<vmem>>
      %dma_start3A_81 = arith.constant 0 : i32
      %dma_start3A_82 = tpu.memref_slice %arg8[%while3A_54, %dma_start3A_81] : memref<56x256xi32, #tpu.memory_space<vmem>> -> memref<1x256xi32, #tpu.memory_space<vmem>>
      %dma_start3A_83 = tpu.memref_squeeze %dma_start3A_82 : memref<1x256xi32, #tpu.memory_space<vmem>> -> memref<256xi32, #tpu.memory_space<vmem>>
      %dma_start3A_84 = arith.constant 0 : i32
      %dma_start3A_85 = arith.constant 0 : i32
      %dma_start3A_86 = tpu.memref_slice %arg10[%dma_start3A_84, %dma_start3A_85] : memref<10240x32xf32, #tpu.memory_space<vmem_shared>> -> memref<10240x32xf32, #tpu.memory_space<vmem_shared>>
      %dma_start3A_87 = tpu.memref_slice %arg12[%select_n3A_65] : memref<3x!tpu.dma_semaphore, #tpu.memory_space<semaphore_mem>> -> memref<1x!tpu.dma_semaphore, #tpu.memory_space<semaphore_mem>>
      %dma_start3A_88 = tpu.memref_squeeze %dma_start3A_87 : memref<1x!tpu.dma_semaphore, #tpu.memory_space<semaphore_mem>> -> memref<!tpu.dma_semaphore, #tpu.memory_space<semaphore_mem>>
      tpu.enqueue_indirect_dma source(%dma_start3A_80 : memref<256x32xf32, #tpu.memory_space<vmem>>) target(%dma_start3A_86 : memref<10240x32xf32, #tpu.memory_space<vmem_shared>>) offsets(%dma_start3A_83 : memref<256xi32, #tpu.memory_space<vmem>>) semaphore(%dma_start3A_88 : memref<!tpu.dma_semaphore, #tpu.memory_space<semaphore_mem>>) {add = true}
      %add3A_89 = arith.constant 2 : i32
      %add3A_90 = arith.addi %while3A_54, %add3A_89 : i32
      %jit3A_91 = arith.constant 3 : i32
      %eq3A_92 = arith.constant 0 : i32
      %eq3A_93 = arith.cmpi eq, %jit3A_91, %eq3A_92 : i32
      %jit3A_94 = arith.constant 1 : i32
      %select_n3A_95 = arith.select %eq3A_93, %jit3A_94, %jit3A_91 : i32
      %rem3A_96 = arith.remsi %add3A_90, %select_n3A_95 : i32
      %ne3A_97 = arith.constant 0 : i32
      %ne3A_98 = arith.cmpi ne, %rem3A_96, %ne3A_97 : i32
      %lt3A_99 = arith.constant 0 : i32
      %lt3A_100 = arith.cmpi slt, %rem3A_96, %lt3A_99 : i32
      %lt3A_101 = arith.constant 0 : i32
      %lt3A_102 = arith.cmpi slt, %select_n3A_95, %lt3A_101 : i32
      %ne3A_103 = arith.xori %lt3A_100, %lt3A_102 : i1
      %and3A_104 = arith.andi %ne3A_103, %ne3A_98 : i1
      %add3A_105 = arith.addi %rem3A_96, %select_n3A_95 : i32
      %select_n3A_106 = arith.select %and3A_104, %add3A_105, %rem3A_96 : i32
      %lt3A_107 = arith.cmpi slt, %add3A_90, %select_n3A_2 : i32
      %convert_element_type3A = arith.extui %lt3A_107 : i1 to i32
      %cond3A = arith.constant 0 : i32
      %cond3A_108 = arith.cmpi ne, %convert_element_type3A, %cond3A : i32
      scf.if %cond3A_108 {
        %ge3A = arith.constant 3 : i32
        %ge3A_109 = arith.cmpi sge, %add3A_90, %ge3A : i32
        %convert_element_type3A_110 = arith.extui %ge3A_109 : i1 to i32
        %cond3A_111 = arith.constant 0 : i32
        %cond3A_112 = arith.cmpi ne, %convert_element_type3A_110, %cond3A_111 : i32
        scf.if %cond3A_112 {
          %sub3A = arith.constant 3 : i32
          %sub3A_125 = arith.subi %add3A_90, %sub3A : i32
          %dma_wait3A_126 = arith.constant 0 : i32
          %dma_wait3A_127 = arith.constant 0 : i32
          %dma_wait3A_128 = tpu.memref_slice %arg9[%select_n3A_106, %dma_wait3A_126, %dma_wait3A_127] : memref<3x256x32xf32, #tpu.memory_space<vmem>> -> memref<1x256x32xf32, #tpu.memory_space<vmem>>
          %dma_wait3A_129 = tpu.memref_squeeze %dma_wait3A_128 : memref<1x256x32xf32, #tpu.memory_space<vmem>> -> memref<256x32xf32, #tpu.memory_space<vmem>>
          %dma_wait3A_130 = arith.constant 0 : i32
          %dma_wait3A_131 = tpu.memref_slice %arg8[%sub3A_125, %dma_wait3A_130] : memref<56x256xi32, #tpu.memory_space<vmem>> -> memref<1x256xi32, #tpu.memory_space<vmem>>
          %dma_wait3A_132 = tpu.memref_squeeze %dma_wait3A_131 : memref<1x256xi32, #tpu.memory_space<vmem>> -> memref<256xi32, #tpu.memory_space<vmem>>
          %dma_wait3A_133 = arith.constant 0 : i32
          %dma_wait3A_134 = arith.constant 0 : i32
          %dma_wait3A_135 = tpu.memref_slice %arg10[%dma_wait3A_133, %dma_wait3A_134] : memref<10240x32xf32, #tpu.memory_space<vmem_shared>> -> memref<10240x32xf32, #tpu.memory_space<vmem_shared>>
          %dma_wait3A_136 = tpu.memref_slice %arg12[%select_n3A_106] : memref<3x!tpu.dma_semaphore, #tpu.memory_space<semaphore_mem>> -> memref<1x!tpu.dma_semaphore, #tpu.memory_space<semaphore_mem>>
          %dma_wait3A_137 = tpu.memref_squeeze %dma_wait3A_136 : memref<1x!tpu.dma_semaphore, #tpu.memory_space<semaphore_mem>> -> memref<!tpu.dma_semaphore, #tpu.memory_space<semaphore_mem>>
          tpu.wait_indirect_dma semaphore(%dma_wait3A_137 : memref<!tpu.dma_semaphore, #tpu.memory_space<semaphore_mem>>) src(%dma_wait3A_129 : memref<256x32xf32, #tpu.memory_space<vmem>>) dst(%dma_wait3A_135 : memref<10240x32xf32, #tpu.memory_space<vmem_shared>>)
        } else {
        }
        %dma_start3A_113 = arith.constant 0 : i32
        %dma_start3A_114 = arith.constant 0 : i32
        %dma_start3A_115 = tpu.memref_slice %arg9[%select_n3A_106, %dma_start3A_113, %dma_start3A_114] : memref<3x256x32xf32, #tpu.memory_space<vmem>> -> memref<1x256x32xf32, #tpu.memory_space<vmem>>
        %dma_start3A_116 = tpu.memref_squeeze %dma_start3A_115 : memref<1x256x32xf32, #tpu.memory_space<vmem>> -> memref<256x32xf32, #tpu.memory_space<vmem>>
        %dma_start3A_117 = arith.constant 0 : i32
        %dma_start3A_118 = tpu.memref_slice %arg7[%add3A_90, %dma_start3A_117] : memref<56x256xi32, #tpu.memory_space<vmem>> -> memref<1x256xi32, #tpu.memory_space<vmem>>
        %dma_start3A_119 = tpu.memref_squeeze %dma_start3A_118 : memref<1x256xi32, #tpu.memory_space<vmem>> -> memref<256xi32, #tpu.memory_space<vmem>>
        %dma_start3A_120 = arith.constant 0 : i32
        %dma_start3A_121 = arith.constant 0 : i32
        %dma_start3A_122 = tpu.memref_slice %arg4[%dma_start3A_120, %dma_start3A_121] : memref<10000x32xf32, #tpu.memory_space<hbm>> -> memref<10000x32xf32, #tpu.memory_space<hbm>>
        %dma_start3A_123 = tpu.memref_slice %arg11[%select_n3A_106] : memref<3x!tpu.dma_semaphore, #tpu.memory_space<semaphore_mem>> -> memref<1x!tpu.dma_semaphore, #tpu.memory_space<semaphore_mem>>
        %dma_start3A_124 = tpu.memref_squeeze %dma_start3A_123 : memref<1x!tpu.dma_semaphore, #tpu.memory_space<semaphore_mem>> -> memref<!tpu.dma_semaphore, #tpu.memory_space<semaphore_mem>>
        tpu.enqueue_indirect_dma source(%dma_start3A_122 : memref<10000x32xf32, #tpu.memory_space<hbm>>) target(%dma_start3A_116 : memref<256x32xf32, #tpu.memory_space<vmem>>) offsets(%dma_start3A_119 : memref<256xi32, #tpu.memory_space<vmem>>) semaphore(%dma_start3A_124 : memref<!tpu.dma_semaphore, #tpu.memory_space<semaphore_mem>>)
      } else {
      }
    }
    %while3A_48 = arith.constant 1 : i32
    scf.for %while3A_54 = %while3A_46 to %while3A_42 step %while3A_48  : i32 {
      %jit3A = arith.constant 3 : i32
      %eq3A_55 = arith.constant 0 : i32
      %eq3A_56 = arith.cmpi eq, %jit3A, %eq3A_55 : i32
      %jit3A_57 = arith.constant 1 : i32
      %select_n3A_58 = arith.select %eq3A_56, %jit3A_57, %jit3A : i32
      %rem3A = arith.remsi %while3A_54, %select_n3A_58 : i32
      %ne3A = arith.constant 0 : i32
      %ne3A_59 = arith.cmpi ne, %rem3A, %ne3A : i32
      %lt3A = arith.constant 0 : i32
      %lt3A_60 = arith.cmpi slt, %rem3A, %lt3A : i32
      %lt3A_61 = arith.constant 0 : i32
      %lt3A_62 = arith.cmpi slt, %select_n3A_58, %lt3A_61 : i32
      %ne3A_63 = arith.xori %lt3A_60, %lt3A_62 : i1
      %and3A = arith.andi %ne3A_63, %ne3A_59 : i1
      %add3A_64 = arith.addi %rem3A, %select_n3A_58 : i32
      %select_n3A_65 = arith.select %and3A, %add3A_64, %rem3A : i32
      %dma_wait3A = arith.constant 0 : i32
      %dma_wait3A_66 = arith.constant 0 : i32
      %dma_wait3A_67 = tpu.memref_slice %arg9[%select_n3A_65, %dma_wait3A, %dma_wait3A_66] : memref<3x256x32xf32, #tpu.memory_space<vmem>> -> memref<1x256x32xf32, #tpu.memory_space<vmem>>
      %dma_wait3A_68 = tpu.memref_squeeze %dma_wait3A_67 : memref<1x256x32xf32, #tpu.memory_space<vmem>> -> memref<256x32xf32, #tpu.memory_space<vmem>>
      %dma_wait3A_69 = arith.constant 0 : i32
      %dma_wait3A_70 = tpu.memref_slice %arg7[%while3A_54, %dma_wait3A_69] : memref<56x256xi32, #tpu.memory_space<vmem>> -> memref<1x256xi32, #tpu.memory_space<vmem>>
      %dma_wait3A_71 = tpu.memref_squeeze %dma_wait3A_70 : memref<1x256xi32, #tpu.memory_space<vmem>> -> memref<256xi32, #tpu.memory_space<vmem>>
      %dma_wait3A_72 = arith.constant 0 : i32
      %dma_wait3A_73 = arith.constant 0 : i32
      %dma_wait3A_74 = tpu.memref_slice %arg4[%dma_wait3A_72, %dma_wait3A_73] : memref<10000x32xf32, #tpu.memory_space<hbm>> -> memref<10000x32xf32, #tpu.memory_space<hbm>>
      %dma_wait3A_75 = tpu.memref_slice %arg11[%select_n3A_65] : memref<3x!tpu.dma_semaphore, #tpu.memory_space<semaphore_mem>> -> memref<1x!tpu.dma_semaphore, #tpu.memory_space<semaphore_mem>>
      %dma_wait3A_76 = tpu.memref_squeeze %dma_wait3A_75 : memref<1x!tpu.dma_semaphore, #tpu.memory_space<semaphore_mem>> -> memref<!tpu.dma_semaphore, #tpu.memory_space<semaphore_mem>>
      tpu.wait_indirect_dma semaphore(%dma_wait3A_76 : memref<!tpu.dma_semaphore, #tpu.memory_space<semaphore_mem>>) src(%dma_wait3A_74 : memref<10000x32xf32, #tpu.memory_space<hbm>>) dst(%dma_wait3A_68 : memref<256x32xf32, #tpu.memory_space<vmem>>)
      %dma_start3A_77 = arith.constant 0 : i32
      %dma_start3A_78 = arith.constant 0 : i32
      %dma_start3A_79 = tpu.memref_slice %arg9[%select_n3A_65, %dma_start3A_77, %dma_start3A_78] : memref<3x256x32xf32, #tpu.memory_space<vmem>> -> memref<1x256x32xf32, #tpu.memory_space<vmem>>
      %dma_start3A_80 = tpu.memref_squeeze %dma_start3A_79 : memref<1x256x32xf32, #tpu.memory_space<vmem>> -> memref<256x32xf32, #tpu.memory_space<vmem>>
      %dma_start3A_81 = arith.constant 0 : i32
      %dma_start3A_82 = tpu.memref_slice %arg8[%while3A_54, %dma_start3A_81] : memref<56x256xi32, #tpu.memory_space<vmem>> -> memref<1x256xi32, #tpu.memory_space<vmem>>
      %dma_start3A_83 = tpu.memref_squeeze %dma_start3A_82 : memref<1x256xi32, #tpu.memory_space<vmem>> -> memref<256xi32, #tpu.memory_space<vmem>>
      %dma_start3A_84 = arith.constant 0 : i32
      %dma_start3A_85 = arith.constant 0 : i32
      %dma_start3A_86 = tpu.memref_slice %arg10[%dma_start3A_84, %dma_start3A_85] : memref<10240x32xf32, #tpu.memory_space<vmem_shared>> -> memref<10240x32xf32, #tpu.memory_space<vmem_shared>>
      %dma_start3A_87 = tpu.memref_slice %arg12[%select_n3A_65] : memref<3x!tpu.dma_semaphore, #tpu.memory_space<semaphore_mem>> -> memref<1x!tpu.dma_semaphore, #tpu.memory_space<semaphore_mem>>
      %dma_start3A_88 = tpu.memref_squeeze %dma_start3A_87 : memref<1x!tpu.dma_semaphore, #tpu.memory_space<semaphore_mem>> -> memref<!tpu.dma_semaphore, #tpu.memory_space<semaphore_mem>>
      tpu.enqueue_indirect_dma source(%dma_start3A_80 : memref<256x32xf32, #tpu.memory_space<vmem>>) target(%dma_start3A_86 : memref<10240x32xf32, #tpu.memory_space<vmem_shared>>) offsets(%dma_start3A_83 : memref<256xi32, #tpu.memory_space<vmem>>) semaphore(%dma_start3A_88 : memref<!tpu.dma_semaphore, #tpu.memory_space<semaphore_mem>>) {add = true}
      %add3A_89 = arith.constant 2 : i32
      %add3A_90 = arith.addi %while3A_54, %add3A_89 : i32
      %jit3A_91 = arith.constant 3 : i32
      %eq3A_92 = arith.constant 0 : i32
      %eq3A_93 = arith.cmpi eq, %jit3A_91, %eq3A_92 : i32
      %jit3A_94 = arith.constant 1 : i32
      %select_n3A_95 = arith.select %eq3A_93, %jit3A_94, %jit3A_91 : i32
      %rem3A_96 = arith.remsi %add3A_90, %select_n3A_95 : i32
      %ne3A_97 = arith.constant 0 : i32
      %ne3A_98 = arith.cmpi ne, %rem3A_96, %ne3A_97 : i32
      %lt3A_99 = arith.constant 0 : i32
      %lt3A_100 = arith.cmpi slt, %rem3A_96, %lt3A_99 : i32
      %lt3A_101 = arith.constant 0 : i32
      %lt3A_102 = arith.cmpi slt, %select_n3A_95, %lt3A_101 : i32
      %ne3A_103 = arith.xori %lt3A_100, %lt3A_102 : i1
      %and3A_104 = arith.andi %ne3A_103, %ne3A_98 : i1
      %add3A_105 = arith.addi %rem3A_96, %select_n3A_95 : i32
      %select_n3A_106 = arith.select %and3A_104, %add3A_105, %rem3A_96 : i32
      %lt3A_107 = arith.cmpi slt, %add3A_90, %select_n3A_2 : i32
      %convert_element_type3A = arith.extui %lt3A_107 : i1 to i32
      %cond3A = arith.constant 0 : i32
      %cond3A_108 = arith.cmpi ne, %convert_element_type3A, %cond3A : i32
      scf.if %cond3A_108 {
        %ge3A = arith.constant 3 : i32
        %ge3A_109 = arith.cmpi sge, %add3A_90, %ge3A : i32
        %convert_element_type3A_110 = arith.extui %ge3A_109 : i1 to i32
        %cond3A_111 = arith.constant 0 : i32
        %cond3A_112 = arith.cmpi ne, %convert_element_type3A_110, %cond3A_111 : i32
        scf.if %cond3A_112 {
          %sub3A = arith.constant 3 : i32
          %sub3A_125 = arith.subi %add3A_90, %sub3A : i32
          %dma_wait3A_126 = arith.constant 0 : i32
          %dma_wait3A_127 = arith.constant 0 : i32
          %dma_wait3A_128 = tpu.memref_slice %arg9[%select_n3A_106, %dma_wait3A_126, %dma_wait3A_127] : memref<3x256x32xf32, #tpu.memory_space<vmem>> -> memref<1x256x32xf32, #tpu.memory_space<vmem>>
          %dma_wait3A_129 = tpu.memref_squeeze %dma_wait3A_128 : memref<1x256x32xf32, #tpu.memory_space<vmem>> -> memref<256x32xf32, #tpu.memory_space<vmem>>
          %dma_wait3A_130 = arith.constant 0 : i32
          %dma_wait3A_131 = tpu.memref_slice %arg8[%sub3A_125, %dma_wait3A_130] : memref<56x256xi32, #tpu.memory_space<vmem>> -> memref<1x256xi32, #tpu.memory_space<vmem>>
          %dma_wait3A_132 = tpu.memref_squeeze %dma_wait3A_131 : memref<1x256xi32, #tpu.memory_space<vmem>> -> memref<256xi32, #tpu.memory_space<vmem>>
          %dma_wait3A_133 = arith.constant 0 : i32
          %dma_wait3A_134 = arith.constant 0 : i32
          %dma_wait3A_135 = tpu.memref_slice %arg10[%dma_wait3A_133, %dma_wait3A_134] : memref<10240x32xf32, #tpu.memory_space<vmem_shared>> -> memref<10240x32xf32, #tpu.memory_space<vmem_shared>>
          %dma_wait3A_136 = tpu.memref_slice %arg12[%select_n3A_106] : memref<3x!tpu.dma_semaphore, #tpu.memory_space<semaphore_mem>> -> memref<1x!tpu.dma_semaphore, #tpu.memory_space<semaphore_mem>>
          %dma_wait3A_137 = tpu.memref_squeeze %dma_wait3A_136 : memref<1x!tpu.dma_semaphore, #tpu.memory_space<semaphore_mem>> -> memref<!tpu.dma_semaphore, #tpu.memory_space<semaphore_mem>>
          tpu.wait_indirect_dma semaphore(%dma_wait3A_137 : memref<!tpu.dma_semaphore, #tpu.memory_space<semaphore_mem>>) src(%dma_wait3A_129 : memref<256x32xf32, #tpu.memory_space<vmem>>) dst(%dma_wait3A_135 : memref<10240x32xf32, #tpu.memory_space<vmem_shared>>)
        } else {
        }
        %dma_start3A_113 = arith.constant 0 : i32
        %dma_start3A_114 = arith.constant 0 : i32
        %dma_start3A_115 = tpu.memref_slice %arg9[%select_n3A_106, %dma_start3A_113, %dma_start3A_114] : memref<3x256x32xf32, #tpu.memory_space<vmem>> -> memref<1x256x32xf32, #tpu.memory_space<vmem>>
        %dma_start3A_116 = tpu.memref_squeeze %dma_start3A_115 : memref<1x256x32xf32, #tpu.memory_space<vmem>> -> memref<256x32xf32, #tpu.memory_space<vmem>>
        %dma_start3A_117 = arith.constant 0 : i32
        %dma_start3A_118 = tpu.memref_slice %arg7[%add3A_90, %dma_start3A_117] : memref<56x256xi32, #tpu.memory_space<vmem>> -> memref<1x256xi32, #tpu.memory_space<vmem>>
        %dma_start3A_119 = tpu.memref_squeeze %dma_start3A_118 : memref<1x256xi32, #tpu.memory_space<vmem>> -> memref<256xi32, #tpu.memory_space<vmem>>
        %dma_start3A_120 = arith.constant 0 : i32
        %dma_start3A_121 = arith.constant 0 : i32
        %dma_start3A_122 = tpu.memref_slice %arg4[%dma_start3A_120, %dma_start3A_121] : memref<10000x32xf32, #tpu.memory_space<hbm>> -> memref<10000x32xf32, #tpu.memory_space<hbm>>
        %dma_start3A_123 = tpu.memref_slice %arg11[%select_n3A_106] : memref<3x!tpu.dma_semaphore, #tpu.memory_space<semaphore_mem>> -> memref<1x!tpu.dma_semaphore, #tpu.memory_space<semaphore_mem>>
        %dma_start3A_124 = tpu.memref_squeeze %dma_start3A_123 : memref<1x!tpu.dma_semaphore, #tpu.memory_space<semaphore_mem>> -> memref<!tpu.dma_semaphore, #tpu.memory_space<semaphore_mem>>
        tpu.enqueue_indirect_dma source(%dma_start3A_122 : memref<10000x32xf32, #tpu.memory_space<hbm>>) target(%dma_start3A_116 : memref<256x32xf32, #tpu.memory_space<vmem>>) offsets(%dma_start3A_119 : memref<256xi32, #tpu.memory_space<vmem>>) semaphore(%dma_start3A_124 : memref<!tpu.dma_semaphore, #tpu.memory_space<semaphore_mem>>)
      } else {
      }
    }
    %scan3A = arith.constant 0 : i32
    %scan3A_49 = arith.constant 3 : i32
    %scan3A_50 = arith.addi %scan3A, %scan3A_49 : i32
    %scan3A_51 = arith.constant 1 : i32
    scf.for %scan3A_54 = %scan3A to %scan3A_50 step %scan3A_51  : i32 {
      %sub3A = arith.constant 3 : i32
      %sub3A_55 = arith.subi %select_n3A_2, %sub3A : i32
      %add3A_56 = arith.addi %sub3A_55, %scan3A_54 : i32
      %jit3A = arith.constant 3 : i32
      %eq3A_57 = arith.constant 0 : i32
      %eq3A_58 = arith.cmpi eq, %jit3A, %eq3A_57 : i32
      %jit3A_59 = arith.constant 1 : i32
      %select_n3A_60 = arith.select %eq3A_58, %jit3A_59, %jit3A : i32
      %rem3A = arith.remsi %add3A_56, %select_n3A_60 : i32
      %ne3A = arith.constant 0 : i32
      %ne3A_61 = arith.cmpi ne, %rem3A, %ne3A : i32
      %lt3A = arith.constant 0 : i32
      %lt3A_62 = arith.cmpi slt, %rem3A, %lt3A : i32
      %lt3A_63 = arith.constant 0 : i32
      %lt3A_64 = arith.cmpi slt, %select_n3A_60, %lt3A_63 : i32
      %ne3A_65 = arith.xori %lt3A_62, %lt3A_64 : i1
      %and3A = arith.andi %ne3A_65, %ne3A_61 : i1
      %add3A_66 = arith.addi %rem3A, %select_n3A_60 : i32
      %select_n3A_67 = arith.select %and3A, %add3A_66, %rem3A : i32
      %dma_wait3A = arith.constant 0 : i32
      %dma_wait3A_68 = arith.constant 0 : i32
      %dma_wait3A_69 = tpu.memref_slice %arg9[%select_n3A_67, %dma_wait3A, %dma_wait3A_68] : memref<3x256x32xf32, #tpu.memory_space<vmem>> -> memref<1x256x32xf32, #tpu.memory_space<vmem>>
      %dma_wait3A_70 = tpu.memref_squeeze %dma_wait3A_69 : memref<1x256x32xf32, #tpu.memory_space<vmem>> -> memref<256x32xf32, #tpu.memory_space<vmem>>
      %dma_wait3A_71 = arith.constant 0 : i32
      %dma_wait3A_72 = tpu.memref_slice %arg8[%add3A_56, %dma_wait3A_71] : memref<56x256xi32, #tpu.memory_space<vmem>> -> memref<1x256xi32, #tpu.memory_space<vmem>>
      %dma_wait3A_73 = tpu.memref_squeeze %dma_wait3A_72 : memref<1x256xi32, #tpu.memory_space<vmem>> -> memref<256xi32, #tpu.memory_space<vmem>>
      %dma_wait3A_74 = arith.constant 0 : i32
      %dma_wait3A_75 = arith.constant 0 : i32
      %dma_wait3A_76 = tpu.memref_slice %arg10[%dma_wait3A_74, %dma_wait3A_75] : memref<10240x32xf32, #tpu.memory_space<vmem_shared>> -> memref<10240x32xf32, #tpu.memory_space<vmem_shared>>
      %dma_wait3A_77 = tpu.memref_slice %arg12[%select_n3A_67] : memref<3x!tpu.dma_semaphore, #tpu.memory_space<semaphore_mem>> -> memref<1x!tpu.dma_semaphore, #tpu.memory_space<semaphore_mem>>
      %dma_wait3A_78 = tpu.memref_squeeze %dma_wait3A_77 : memref<1x!tpu.dma_semaphore, #tpu.memory_space<semaphore_mem>> -> memref<!tpu.dma_semaphore, #tpu.memory_space<semaphore_mem>>
      tpu.wait_indirect_dma semaphore(%dma_wait3A_78 : memref<!tpu.dma_semaphore, #tpu.memory_space<semaphore_mem>>) src(%dma_wait3A_70 : memref<256x32xf32, #tpu.memory_space<vmem>>) dst(%dma_wait3A_76 : memref<10240x32xf32, #tpu.memory_space<vmem_shared>>)
    }
    %scan3A_52 = arith.constant 3 : i32
    %barrier3A_53 = arith.constant 0 : index
    tpu.barrier barrier_id(%barrier3A_53)
    "tpu.region"() ({
      %run_scoped3A = tpu.sem_alloc : memref<!tpu.dma_semaphore, #tpu.memory_space<semaphore_mem>>
      %dma_start3A_54 = arith.constant 0 : i32
      %dma_start3A_55 = tpu.memref_slice %arg6[%arg0, %mul3A_11, %dma_start3A_54] : memref<2x10240x32xf32, #tpu.memory_space<hbm>> -> memref<1x640x32xf32, #tpu.memory_space<hbm>>
      %dma_start3A_56 = tpu.memref_squeeze %dma_start3A_55 : memref<1x640x32xf32, #tpu.memory_space<hbm>> -> memref<640x32xf32, #tpu.memory_space<hbm>>
      %dma_start3A_57 = arith.constant 0 : i32
      %dma_start3A_58 = tpu.memref_slice %arg10[%mul3A_11, %dma_start3A_57] : memref<10240x32xf32, #tpu.memory_space<vmem_shared>> -> memref<640x32xf32, #tpu.memory_space<vmem_shared>>
      tpu.enqueue_dma source(%dma_start3A_58 : memref<640x32xf32, #tpu.memory_space<vmem_shared>>) target(%dma_start3A_56 : memref<640x32xf32, #tpu.memory_space<hbm>>) target_semaphore(%run_scoped3A : memref<!tpu.dma_semaphore, #tpu.memory_space<semaphore_mem>>)
      %dma_wait3A = arith.constant 0 : i32
      %dma_wait3A_59 = tpu.memref_slice %arg6[%arg0, %mul3A_11, %dma_wait3A] : memref<2x10240x32xf32, #tpu.memory_space<hbm>> -> memref<1x640x32xf32, #tpu.memory_space<hbm>>
      %dma_wait3A_60 = tpu.memref_squeeze %dma_wait3A_59 : memref<1x640x32xf32, #tpu.memory_space<hbm>> -> memref<640x32xf32, #tpu.memory_space<hbm>>
      %dma_wait3A_61 = arith.constant 0 : i32
      %dma_wait3A_62 = tpu.memref_slice %arg10[%mul3A_11, %dma_wait3A_61] : memref<10240x32xf32, #tpu.memory_space<vmem_shared>> -> memref<640x32xf32, #tpu.memory_space<vmem_shared>>
      tpu.wait_dma2 semaphore(%run_scoped3A : memref<!tpu.dma_semaphore, #tpu.memory_space<semaphore_mem>>) src(%dma_wait3A_62 : memref<640x32xf32, #tpu.memory_space<vmem_shared>>) dst(%dma_wait3A_60 : memref<640x32xf32, #tpu.memory_space<hbm>>)
      tpu.yield
    }) : () -> ()
    return
  }
}

#map = affine_map<(d0, d1) -> (0, 0)>
#map1 = affine_map<(d0, d1) -> (0)>
#map2 = affine_map<(d0, d1) -> (0, 0, 0)>
module attributes {stable_mosaic.version = 14 : i64} {
  func.func @body(%arg0: i32, %arg1: i32, %arg2: memref<1312x256xi32, #tpu.memory_space<hbm>>, %arg3: memref<1312x256xi32, #tpu.memory_space<hbm>>, %arg4: memref<10000x64xf32, #tpu.memory_space<hbm>>, %arg5: memref<10240x64xf32, #tpu.memory_space<hbm>>, %arg6: memref<10240xf32, #tpu.memory_space<hbm>>, %arg7: memref<2x10240x64xf32, #tpu.memory_space<hbm>>, %arg8: memref<2x10240xf32, #tpu.memory_space<hbm>>, %arg9: memref<56x256xi32, #tpu.memory_space<vmem>>, %arg10: memref<56x256xi32, #tpu.memory_space<vmem>>, %arg11: memref<3x256x64xf32, #tpu.memory_space<vmem>>, %arg12: memref<256xf32, #tpu.memory_space<vmem>>, %arg13: memref<10240x64xf32, #tpu.memory_space<vmem_shared>>, %arg14: memref<10240xf32, #tpu.memory_space<vmem_shared>>, %arg15: memref<3x!tpu.dma_semaphore, #tpu.memory_space<semaphore_mem>>, %arg16: memref<3x!tpu.dma_semaphore, #tpu.memory_space<semaphore_mem>>, %arg17: memref<!tpu.dma_semaphore, #tpu.memory_space<semaphore_mem>>) attributes {dimension_semantics = [#tpu.dimension_semantics<core_parallel>, #tpu.dimension_semantics<subcore_parallel>], iteration_bounds = array<i64: 2, 16>, scalar_prefetch = 0 : i64, scratch_operands = 9 : i64, tpu.core_type = #tpu.core_type<sc_vector_subcore>, window_params = [{transform_indices = #map}, {transform_indices = #map}, {transform_indices = #map}, {transform_indices = #map}, {transform_indices = #map1}, {transform_indices = #map2}, {transform_indices = #map}]} {
    %eq3A = arith.constant 0 : i32
    %eq3A_0 = arith.cmpi eq, %arg0, %eq3A : i32
    %select_n3A = arith.constant 24 : i32
    %select_n3A_1 = arith.constant 56 : i32
    %select_n3A_2 = arith.select %eq3A_0, %select_n3A_1, %select_n3A : i32
    %eq3A_3 = arith.constant 0 : i32
    %eq3A_4 = arith.cmpi eq, %arg0, %eq3A_3 : i32
    %mul3A = arith.constant 56 : i32
    %mul3A_5 = arith.muli %arg1, %mul3A : i32
    %mul3A_6 = arith.constant 24 : i32
    %mul3A_7 = arith.muli %arg1, %mul3A_6 : i32
    %add3A = arith.constant 896 : i32
    %add3A_8 = arith.addi %add3A, %mul3A_7 : i32
    %select_n3A_9 = arith.select %eq3A_4, %mul3A_5, %add3A_8 : i32
    %mul3A_10 = arith.constant 640 : i32
    %mul3A_11 = arith.muli %arg1, %mul3A_10 : i32
    "tpu.region"() ({
      %run_scoped3A = tpu.sem_alloc : memref<!tpu.dma_semaphore, #tpu.memory_space<semaphore_mem>>
      %dma_start3A_157 = arith.constant 0 : i32
      %dma_start3A_158 = tpu.memref_slice %arg13[%mul3A_11, %dma_start3A_157] : memref<10240x64xf32, #tpu.memory_space<vmem_shared>> -> memref<640x64xf32, #tpu.memory_space<vmem_shared>>
      %dma_start3A_159 = arith.constant 0 : i32
      %dma_start3A_160 = tpu.memref_slice %arg5[%mul3A_11, %dma_start3A_159] : memref<10240x64xf32, #tpu.memory_space<hbm>> -> memref<640x64xf32, #tpu.memory_space<hbm>>
      tpu.enqueue_dma source(%dma_start3A_160 : memref<640x64xf32, #tpu.memory_space<hbm>>) target(%dma_start3A_158 : memref<640x64xf32, #tpu.memory_space<vmem_shared>>) target_semaphore(%run_scoped3A : memref<!tpu.dma_semaphore, #tpu.memory_space<semaphore_mem>>)
      %dma_wait3A = arith.constant 0 : i32
      %dma_wait3A_161 = tpu.memref_slice %arg13[%mul3A_11, %dma_wait3A] : memref<10240x64xf32, #tpu.memory_space<vmem_shared>> -> memref<640x64xf32, #tpu.memory_space<vmem_shared>>
      %dma_wait3A_162 = arith.constant 0 : i32
      %dma_wait3A_163 = tpu.memref_slice %arg5[%mul3A_11, %dma_wait3A_162] : memref<10240x64xf32, #tpu.memory_space<hbm>> -> memref<640x64xf32, #tpu.memory_space<hbm>>
      tpu.wait_dma2 semaphore(%run_scoped3A : memref<!tpu.dma_semaphore, #tpu.memory_space<semaphore_mem>>) src(%dma_wait3A_163 : memref<640x64xf32, #tpu.memory_space<hbm>>) dst(%dma_wait3A_161 : memref<640x64xf32, #tpu.memory_space<vmem_shared>>)
      tpu.yield
    }) : () -> ()
    "tpu.region"() ({
      %run_scoped3A = tpu.sem_alloc : memref<!tpu.dma_semaphore, #tpu.memory_space<semaphore_mem>>
      %dma_start3A_157 = tpu.memref_slice %arg14[%mul3A_11] : memref<10240xf32, #tpu.memory_space<vmem_shared>> -> memref<640xf32, #tpu.memory_space<vmem_shared>>
      %dma_start3A_158 = tpu.memref_slice %arg6[%mul3A_11] : memref<10240xf32, #tpu.memory_space<hbm>> -> memref<640xf32, #tpu.memory_space<hbm>>
      tpu.enqueue_dma source(%dma_start3A_158 : memref<640xf32, #tpu.memory_space<hbm>>) target(%dma_start3A_157 : memref<640xf32, #tpu.memory_space<vmem_shared>>) target_semaphore(%run_scoped3A : memref<!tpu.dma_semaphore, #tpu.memory_space<semaphore_mem>>)
      %dma_wait3A = tpu.memref_slice %arg14[%mul3A_11] : memref<10240xf32, #tpu.memory_space<vmem_shared>> -> memref<640xf32, #tpu.memory_space<vmem_shared>>
      %dma_wait3A_159 = tpu.memref_slice %arg6[%mul3A_11] : memref<10240xf32, #tpu.memory_space<hbm>> -> memref<640xf32, #tpu.memory_space<hbm>>
      tpu.wait_dma2 semaphore(%run_scoped3A : memref<!tpu.dma_semaphore, #tpu.memory_space<semaphore_mem>>) src(%dma_wait3A_159 : memref<640xf32, #tpu.memory_space<hbm>>) dst(%dma_wait3A : memref<640xf32, #tpu.memory_space<vmem_shared>>)
      tpu.yield
    }) : () -> ()
    %broadcast_in_dim3A = arith.constant 1.000000e+00 : f32
    %broadcast_in_dim3A_12 = vector.broadcast %broadcast_in_dim3A : f32 to vector<16xf32>
    %swap3A = arith.constant 0 : index
    %swap3A_13 = tpu.vector_load %arg12[%swap3A] {strides = array<i32>} : memref<256xf32, #tpu.memory_space<vmem>>, vector<16xf32>,
    %swap3A_14 = vector.shape_cast %swap3A_13 : vector<16xf32> to vector<16xf32>
    %swap3A_15 = vector.shape_cast %broadcast_in_dim3A_12 : vector<16xf32> to vector<16xf32>
    tpu.vector_store %arg12[%swap3A], %swap3A_15 {strides = array<i32>} : memref<256xf32, #tpu.memory_space<vmem>>, vector<16xf32>,
    %broadcast_in_dim3A_16 = arith.constant 1.000000e+00 : f32
    %broadcast_in_dim3A_17 = vector.broadcast %broadcast_in_dim3A_16 : f32 to vector<16xf32>
    %swap3A_18 = arith.constant 16 : index
    %swap3A_19 = tpu.vector_load %arg12[%swap3A_18] {strides = array<i32>} : memref<256xf32, #tpu.memory_space<vmem>>, vector<16xf32>,
    %swap3A_20 = vector.shape_cast %swap3A_19 : vector<16xf32> to vector<16xf32>
    %swap3A_21 = vector.shape_cast %broadcast_in_dim3A_17 : vector<16xf32> to vector<16xf32>
    tpu.vector_store %arg12[%swap3A_18], %swap3A_21 {strides = array<i32>} : memref<256xf32, #tpu.memory_space<vmem>>, vector<16xf32>,
    %broadcast_in_dim3A_22 = arith.constant 1.000000e+00 : f32
    %broadcast_in_dim3A_23 = vector.broadcast %broadcast_in_dim3A_22 : f32 to vector<16xf32>
    %swap3A_24 = arith.constant 32 : index
    %swap3A_25 = tpu.vector_load %arg12[%swap3A_24] {strides = array<i32>} : memref<256xf32, #tpu.memory_space<vmem>>, vector<16xf32>,
    %swap3A_26 = vector.shape_cast %swap3A_25 : vector<16xf32> to vector<16xf32>
    %swap3A_27 = vector.shape_cast %broadcast_in_dim3A_23 : vector<16xf32> to vector<16xf32>
    tpu.vector_store %arg12[%swap3A_24], %swap3A_27 {strides = array<i32>} : memref<256xf32, #tpu.memory_space<vmem>>, vector<16xf32>,
    %broadcast_in_dim3A_28 = arith.constant 1.000000e+00 : f32
    %broadcast_in_dim3A_29 = vector.broadcast %broadcast_in_dim3A_28 : f32 to vector<16xf32>
    %swap3A_30 = arith.constant 48 : index
    %swap3A_31 = tpu.vector_load %arg12[%swap3A_30] {strides = array<i32>} : memref<256xf32, #tpu.memory_space<vmem>>, vector<16xf32>,
    %swap3A_32 = vector.shape_cast %swap3A_31 : vector<16xf32> to vector<16xf32>
    %swap3A_33 = vector.shape_cast %broadcast_in_dim3A_29 : vector<16xf32> to vector<16xf32>
    tpu.vector_store %arg12[%swap3A_30], %swap3A_33 {strides = array<i32>} : memref<256xf32, #tpu.memory_space<vmem>>, vector<16xf32>,
    %broadcast_in_dim3A_34 = arith.constant 1.000000e+00 : f32
    %broadcast_in_dim3A_35 = vector.broadcast %broadcast_in_dim3A_34 : f32 to vector<16xf32>
    %swap3A_36 = arith.constant 64 : index
    %swap3A_37 = tpu.vector_load %arg12[%swap3A_36] {strides = array<i32>} : memref<256xf32, #tpu.memory_space<vmem>>, vector<16xf32>,
    %swap3A_38 = vector.shape_cast %swap3A_37 : vector<16xf32> to vector<16xf32>
    %swap3A_39 = vector.shape_cast %broadcast_in_dim3A_35 : vector<16xf32> to vector<16xf32>
    tpu.vector_store %arg12[%swap3A_36], %swap3A_39 {strides = array<i32>} : memref<256xf32, #tpu.memory_space<vmem>>, vector<16xf32>,
    %broadcast_in_dim3A_40 = arith.constant 1.000000e+00 : f32
    %broadcast_in_dim3A_41 = vector.broadcast %broadcast_in_dim3A_40 : f32 to vector<16xf32>
    %swap3A_42 = arith.constant 80 : index
    %swap3A_43 = tpu.vector_load %arg12[%swap3A_42] {strides = array<i32>} : memref<256xf32, #tpu.memory_space<vmem>>, vector<16xf32>,
    %swap3A_44 = vector.shape_cast %swap3A_43 : vector<16xf32> to vector<16xf32>
    %swap3A_45 = vector.shape_cast %broadcast_in_dim3A_41 : vector<16xf32> to vector<16xf32>
    tpu.vector_store %arg12[%swap3A_42], %swap3A_45 {strides = array<i32>} : memref<256xf32, #tpu.memory_space<vmem>>, vector<16xf32>,
    %broadcast_in_dim3A_46 = arith.constant 1.000000e+00 : f32
    %broadcast_in_dim3A_47 = vector.broadcast %broadcast_in_dim3A_46 : f32 to vector<16xf32>
    %swap3A_48 = arith.constant 96 : index
    %swap3A_49 = tpu.vector_load %arg12[%swap3A_48] {strides = array<i32>} : memref<256xf32, #tpu.memory_space<vmem>>, vector<16xf32>,
    %swap3A_50 = vector.shape_cast %swap3A_49 : vector<16xf32> to vector<16xf32>
    %swap3A_51 = vector.shape_cast %broadcast_in_dim3A_47 : vector<16xf32> to vector<16xf32>
    tpu.vector_store %arg12[%swap3A_48], %swap3A_51 {strides = array<i32>} : memref<256xf32, #tpu.memory_space<vmem>>, vector<16xf32>,
    %broadcast_in_dim3A_52 = arith.constant 1.000000e+00 : f32
    %broadcast_in_dim3A_53 = vector.broadcast %broadcast_in_dim3A_52 : f32 to vector<16xf32>
    %swap3A_54 = arith.constant 112 : index
    %swap3A_55 = tpu.vector_load %arg12[%swap3A_54] {strides = array<i32>} : memref<256xf32, #tpu.memory_space<vmem>>, vector<16xf32>,
    %swap3A_56 = vector.shape_cast %swap3A_55 : vector<16xf32> to vector<16xf32>
    %swap3A_57 = vector.shape_cast %broadcast_in_dim3A_53 : vector<16xf32> to vector<16xf32>
    tpu.vector_store %arg12[%swap3A_54], %swap3A_57 {strides = array<i32>} : memref<256xf32, #tpu.memory_space<vmem>>, vector<16xf32>,
    %broadcast_in_dim3A_58 = arith.constant 1.000000e+00 : f32
    %broadcast_in_dim3A_59 = vector.broadcast %broadcast_in_dim3A_58 : f32 to vector<16xf32>
    %swap3A_60 = arith.constant 128 : index
    %swap3A_61 = tpu.vector_load %arg12[%swap3A_60] {strides = array<i32>} : memref<256xf32, #tpu.memory_space<vmem>>, vector<16xf32>,
    %swap3A_62 = vector.shape_cast %swap3A_61 : vector<16xf32> to vector<16xf32>
    %swap3A_63 = vector.shape_cast %broadcast_in_dim3A_59 : vector<16xf32> to vector<16xf32>
    tpu.vector_store %arg12[%swap3A_60], %swap3A_63 {strides = array<i32>} : memref<256xf32, #tpu.memory_space<vmem>>, vector<16xf32>,
    %broadcast_in_dim3A_64 = arith.constant 1.000000e+00 : f32
    %broadcast_in_dim3A_65 = vector.broadcast %broadcast_in_dim3A_64 : f32 to vector<16xf32>
    %swap3A_66 = arith.constant 144 : index
    %swap3A_67 = tpu.vector_load %arg12[%swap3A_66] {strides = array<i32>} : memref<256xf32, #tpu.memory_space<vmem>>, vector<16xf32>,
    %swap3A_68 = vector.shape_cast %swap3A_67 : vector<16xf32> to vector<16xf32>
    %swap3A_69 = vector.shape_cast %broadcast_in_dim3A_65 : vector<16xf32> to vector<16xf32>
    tpu.vector_store %arg12[%swap3A_66], %swap3A_69 {strides = array<i32>} : memref<256xf32, #tpu.memory_space<vmem>>, vector<16xf32>,
    %broadcast_in_dim3A_70 = arith.constant 1.000000e+00 : f32
    %broadcast_in_dim3A_71 = vector.broadcast %broadcast_in_dim3A_70 : f32 to vector<16xf32>
    %swap3A_72 = arith.constant 160 : index
    %swap3A_73 = tpu.vector_load %arg12[%swap3A_72] {strides = array<i32>} : memref<256xf32, #tpu.memory_space<vmem>>, vector<16xf32>,
    %swap3A_74 = vector.shape_cast %swap3A_73 : vector<16xf32> to vector<16xf32>
    %swap3A_75 = vector.shape_cast %broadcast_in_dim3A_71 : vector<16xf32> to vector<16xf32>
    tpu.vector_store %arg12[%swap3A_72], %swap3A_75 {strides = array<i32>} : memref<256xf32, #tpu.memory_space<vmem>>, vector<16xf32>,
    %broadcast_in_dim3A_76 = arith.constant 1.000000e+00 : f32
    %broadcast_in_dim3A_77 = vector.broadcast %broadcast_in_dim3A_76 : f32 to vector<16xf32>
    %swap3A_78 = arith.constant 176 : index
    %swap3A_79 = tpu.vector_load %arg12[%swap3A_78] {strides = array<i32>} : memref<256xf32, #tpu.memory_space<vmem>>, vector<16xf32>,
    %swap3A_80 = vector.shape_cast %swap3A_79 : vector<16xf32> to vector<16xf32>
    %swap3A_81 = vector.shape_cast %broadcast_in_dim3A_77 : vector<16xf32> to vector<16xf32>
    tpu.vector_store %arg12[%swap3A_78], %swap3A_81 {strides = array<i32>} : memref<256xf32, #tpu.memory_space<vmem>>, vector<16xf32>,
    %broadcast_in_dim3A_82 = arith.constant 1.000000e+00 : f32
    %broadcast_in_dim3A_83 = vector.broadcast %broadcast_in_dim3A_82 : f32 to vector<16xf32>
    %swap3A_84 = arith.constant 192 : index
    %swap3A_85 = tpu.vector_load %arg12[%swap3A_84] {strides = array<i32>} : memref<256xf32, #tpu.memory_space<vmem>>, vector<16xf32>,
    %swap3A_86 = vector.shape_cast %swap3A_85 : vector<16xf32> to vector<16xf32>
    %swap3A_87 = vector.shape_cast %broadcast_in_dim3A_83 : vector<16xf32> to vector<16xf32>
    tpu.vector_store %arg12[%swap3A_84], %swap3A_87 {strides = array<i32>} : memref<256xf32, #tpu.memory_space<vmem>>, vector<16xf32>,
    %broadcast_in_dim3A_88 = arith.constant 1.000000e+00 : f32
    %broadcast_in_dim3A_89 = vector.broadcast %broadcast_in_dim3A_88 : f32 to vector<16xf32>
    %swap3A_90 = arith.constant 208 : index
    %swap3A_91 = tpu.vector_load %arg12[%swap3A_90] {strides = array<i32>} : memref<256xf32, #tpu.memory_space<vmem>>, vector<16xf32>,
    %swap3A_92 = vector.shape_cast %swap3A_91 : vector<16xf32> to vector<16xf32>
    %swap3A_93 = vector.shape_cast %broadcast_in_dim3A_89 : vector<16xf32> to vector<16xf32>
    tpu.vector_store %arg12[%swap3A_90], %swap3A_93 {strides = array<i32>} : memref<256xf32, #tpu.memory_space<vmem>>, vector<16xf32>,
    %broadcast_in_dim3A_94 = arith.constant 1.000000e+00 : f32
    %broadcast_in_dim3A_95 = vector.broadcast %broadcast_in_dim3A_94 : f32 to vector<16xf32>
    %swap3A_96 = arith.constant 224 : index
    %swap3A_97 = tpu.vector_load %arg12[%swap3A_96] {strides = array<i32>} : memref<256xf32, #tpu.memory_space<vmem>>, vector<16xf32>,
    %swap3A_98 = vector.shape_cast %swap3A_97 : vector<16xf32> to vector<16xf32>
    %swap3A_99 = vector.shape_cast %broadcast_in_dim3A_95 : vector<16xf32> to vector<16xf32>
    tpu.vector_store %arg12[%swap3A_96], %swap3A_99 {strides = array<i32>} : memref<256xf32, #tpu.memory_space<vmem>>, vector<16xf32>,
    %broadcast_in_dim3A_100 = arith.constant 1.000000e+00 : f32
    %broadcast_in_dim3A_101 = vector.broadcast %broadcast_in_dim3A_100 : f32 to vector<16xf32>
    %swap3A_102 = arith.constant 240 : index
    %swap3A_103 = tpu.vector_load %arg12[%swap3A_102] {strides = array<i32>} : memref<256xf32, #tpu.memory_space<vmem>>, vector<16xf32>,
    %swap3A_104 = vector.shape_cast %swap3A_103 : vector<16xf32> to vector<16xf32>
    %swap3A_105 = vector.shape_cast %broadcast_in_dim3A_101 : vector<16xf32> to vector<16xf32>
    tpu.vector_store %arg12[%swap3A_102], %swap3A_105 {strides = array<i32>} : memref<256xf32, #tpu.memory_space<vmem>>, vector<16xf32>,
    %barrier3A = arith.constant 0 : index
    tpu.barrier barrier_id(%barrier3A)
    "tpu.region"() ({
      %run_scoped3A = tpu.sem_alloc : memref<!tpu.dma_semaphore, #tpu.memory_space<semaphore_mem>>
      %dma_start3A_157 = arith.constant 0 : i32
      %dma_start3A_158 = tpu.memref_slice %arg2[%select_n3A_9, %dma_start3A_157] : memref<1312x256xi32, #tpu.memory_space<hbm>> -> memref<56x256xi32, #tpu.memory_space<hbm>>
      %dma_start3A_159 = arith.constant 0 : i32
      %dma_start3A_160 = tpu.memref_slice %arg2[%select_n3A_9, %dma_start3A_159] : memref<1312x256xi32, #tpu.memory_space<hbm>> -> memref<56x256xi32, #tpu.memory_space<hbm>>
      tpu.enqueue_dma source(%dma_start3A_160 : memref<56x256xi32, #tpu.memory_space<hbm>>) target(%arg9 : memref<56x256xi32, #tpu.memory_space<vmem>>) target_semaphore(%run_scoped3A : memref<!tpu.dma_semaphore, #tpu.memory_space<semaphore_mem>>)
      %dma_wait3A = arith.constant 0 : i32
      %dma_wait3A_161 = tpu.memref_slice %arg2[%select_n3A_9, %dma_wait3A] : memref<1312x256xi32, #tpu.memory_space<hbm>> -> memref<56x256xi32, #tpu.memory_space<hbm>>
      %dma_wait3A_162 = arith.constant 0 : i32
      %dma_wait3A_163 = tpu.memref_slice %arg2[%select_n3A_9, %dma_wait3A_162] : memref<1312x256xi32, #tpu.memory_space<hbm>> -> memref<56x256xi32, #tpu.memory_space<hbm>>
      tpu.wait_dma2 semaphore(%run_scoped3A : memref<!tpu.dma_semaphore, #tpu.memory_space<semaphore_mem>>) src(%dma_wait3A_163 : memref<56x256xi32, #tpu.memory_space<hbm>>) dst(%arg9 : memref<56x256xi32, #tpu.memory_space<vmem>>)
      tpu.yield
    }) : () -> ()
    "tpu.region"() ({
      %run_scoped3A = tpu.sem_alloc : memref<!tpu.dma_semaphore, #tpu.memory_space<semaphore_mem>>
      %dma_start3A_157 = arith.constant 0 : i32
      %dma_start3A_158 = tpu.memref_slice %arg3[%select_n3A_9, %dma_start3A_157] : memref<1312x256xi32, #tpu.memory_space<hbm>> -> memref<56x256xi32, #tpu.memory_space<hbm>>
      %dma_start3A_159 = arith.constant 0 : i32
      %dma_start3A_160 = tpu.memref_slice %arg3[%select_n3A_9, %dma_start3A_159] : memref<1312x256xi32, #tpu.memory_space<hbm>> -> memref<56x256xi32, #tpu.memory_space<hbm>>
      tpu.enqueue_dma source(%dma_start3A_160 : memref<56x256xi32, #tpu.memory_space<hbm>>) target(%arg10 : memref<56x256xi32, #tpu.memory_space<vmem>>) target_semaphore(%run_scoped3A : memref<!tpu.dma_semaphore, #tpu.memory_space<semaphore_mem>>)
      %dma_wait3A = arith.constant 0 : i32
      %dma_wait3A_161 = tpu.memref_slice %arg3[%select_n3A_9, %dma_wait3A] : memref<1312x256xi32, #tpu.memory_space<hbm>> -> memref<56x256xi32, #tpu.memory_space<hbm>>
      %dma_wait3A_162 = arith.constant 0 : i32
      %dma_wait3A_163 = tpu.memref_slice %arg3[%select_n3A_9, %dma_wait3A_162] : memref<1312x256xi32, #tpu.memory_space<hbm>> -> memref<56x256xi32, #tpu.memory_space<hbm>>
      tpu.wait_dma2 semaphore(%run_scoped3A : memref<!tpu.dma_semaphore, #tpu.memory_space<semaphore_mem>>) src(%dma_wait3A_163 : memref<56x256xi32, #tpu.memory_space<hbm>>) dst(%arg10 : memref<56x256xi32, #tpu.memory_space<vmem>>)
      tpu.yield
    }) : () -> ()
    %dma_start3A = arith.constant 0 : i32
    %dma_start3A_106 = arith.constant 0 : i32
    %dma_start3A_107 = arith.constant 0 : i32
    %dma_start3A_108 = arith.constant 0 : i32
    %dma_start3A_109 = arith.constant 0 : i32
    %dma_start3A_110 = tpu.memref_slice %arg11[%dma_start3A_106, %dma_start3A_108, %dma_start3A_109] : memref<3x256x64xf32, #tpu.memory_space<vmem>> -> memref<1x256x64xf32, #tpu.memory_space<vmem>>
    %dma_start3A_111 = tpu.memref_squeeze %dma_start3A_110 : memref<1x256x64xf32, #tpu.memory_space<vmem>> -> memref<256x64xf32, #tpu.memory_space<vmem>>
    %dma_start3A_112 = arith.constant 0 : i32
    %dma_start3A_113 = tpu.memref_slice %arg9[%dma_start3A, %dma_start3A_112] : memref<56x256xi32, #tpu.memory_space<vmem>> -> memref<1x256xi32, #tpu.memory_space<vmem>>
    %dma_start3A_114 = tpu.memref_squeeze %dma_start3A_113 : memref<1x256xi32, #tpu.memory_space<vmem>> -> memref<256xi32, #tpu.memory_space<vmem>>
    %dma_start3A_115 = arith.constant 0 : i32
    %dma_start3A_116 = arith.constant 0 : i32
    %dma_start3A_117 = tpu.memref_slice %arg4[%dma_start3A_115, %dma_start3A_116] : memref<10000x64xf32, #tpu.memory_space<hbm>> -> memref<10000x64xf32, #tpu.memory_space<hbm>>
    %dma_start3A_118 = tpu.memref_slice %arg15[%dma_start3A_107] : memref<3x!tpu.dma_semaphore, #tpu.memory_space<semaphore_mem>> -> memref<1x!tpu.dma_semaphore, #tpu.memory_space<semaphore_mem>>
    %dma_start3A_119 = tpu.memref_squeeze %dma_start3A_118 : memref<1x!tpu.dma_semaphore, #tpu.memory_space<semaphore_mem>> -> memref<!tpu.dma_semaphore, #tpu.memory_space<semaphore_mem>>
    tpu.enqueue_indirect_dma source(%dma_start3A_117 : memref<10000x64xf32, #tpu.memory_space<hbm>>) target(%dma_start3A_111 : memref<256x64xf32, #tpu.memory_space<vmem>>) offsets(%dma_start3A_114 : memref<256xi32, #tpu.memory_space<vmem>>) semaphore(%dma_start3A_119 : memref<!tpu.dma_semaphore, #tpu.memory_space<semaphore_mem>>)
    %dma_start3A_120 = arith.constant 1 : i32
    %dma_start3A_121 = arith.constant 1 : i32
    %dma_start3A_122 = arith.constant 1 : i32
    %dma_start3A_123 = arith.constant 0 : i32
    %dma_start3A_124 = arith.constant 0 : i32
    %dma_start3A_125 = tpu.memref_slice %arg11[%dma_start3A_121, %dma_start3A_123, %dma_start3A_124] : memref<3x256x64xf32, #tpu.memory_space<vmem>> -> memref<1x256x64xf32, #tpu.memory_space<vmem>>
    %dma_start3A_126 = tpu.memref_squeeze %dma_start3A_125 : memref<1x256x64xf32, #tpu.memory_space<vmem>> -> memref<256x64xf32, #tpu.memory_space<vmem>>
    %dma_start3A_127 = arith.constant 0 : i32
    %dma_start3A_128 = tpu.memref_slice %arg9[%dma_start3A_120, %dma_start3A_127] : memref<56x256xi32, #tpu.memory_space<vmem>> -> memref<1x256xi32, #tpu.memory_space<vmem>>
    %dma_start3A_129 = tpu.memref_squeeze %dma_start3A_128 : memref<1x256xi32, #tpu.memory_space<vmem>> -> memref<256xi32, #tpu.memory_space<vmem>>
    %dma_start3A_130 = arith.constant 0 : i32
    %dma_start3A_131 = arith.constant 0 : i32
    %dma_start3A_132 = tpu.memref_slice %arg4[%dma_start3A_130, %dma_start3A_131] : memref<10000x64xf32, #tpu.memory_space<hbm>> -> memref<10000x64xf32, #tpu.memory_space<hbm>>
    %dma_start3A_133 = tpu.memref_slice %arg15[%dma_start3A_122] : memref<3x!tpu.dma_semaphore, #tpu.memory_space<semaphore_mem>> -> memref<1x!tpu.dma_semaphore, #tpu.memory_space<semaphore_mem>>
    %dma_start3A_134 = tpu.memref_squeeze %dma_start3A_133 : memref<1x!tpu.dma_semaphore, #tpu.memory_space<semaphore_mem>> -> memref<!tpu.dma_semaphore, #tpu.memory_space<semaphore_mem>>
    tpu.enqueue_indirect_dma source(%dma_start3A_132 : memref<10000x64xf32, #tpu.memory_space<hbm>>) target(%dma_start3A_126 : memref<256x64xf32, #tpu.memory_space<vmem>>) offsets(%dma_start3A_129 : memref<256xi32, #tpu.memory_space<vmem>>) semaphore(%dma_start3A_134 : memref<!tpu.dma_semaphore, #tpu.memory_space<semaphore_mem>>)
    %while3A = arith.constant 0 : i32
    %while3A_135 = arith.subi %select_n3A_2, %while3A : i32
    %while3A_136 = arith.addi %while3A, %while3A_135 : i32
    %while3A_137 = arith.constant 1 : i32
    %while3A_138 = arith.divsi %while3A_135, %while3A_137 : i32
    %while3A_139 = arith.muli %while3A_138, %while3A_137 : i32
    %while3A_140 = arith.addi %while3A, %while3A_139 : i32
    %while3A_141 = arith.constant 1 : i32
    scf.for %while3A_157 = %while3A to %while3A_140 step %while3A_141  : i32 {
      %jit3A = arith.constant 3 : i32
      %eq3A_158 = arith.constant 0 : i32
      %eq3A_159 = arith.cmpi eq, %jit3A, %eq3A_158 : i32
      %jit3A_160 = arith.constant 1 : i32
      %select_n3A_161 = arith.select %eq3A_159, %jit3A_160, %jit3A : i32
      %rem3A = arith.remsi %while3A_157, %select_n3A_161 : i32
      %ne3A = arith.constant 0 : i32
      %ne3A_162 = arith.cmpi ne, %rem3A, %ne3A : i32
      %lt3A = arith.constant 0 : i32
      %lt3A_163 = arith.cmpi slt, %rem3A, %lt3A : i32
      %lt3A_164 = arith.constant 0 : i32
      %lt3A_165 = arith.cmpi slt, %select_n3A_161, %lt3A_164 : i32
      %ne3A_166 = arith.xori %lt3A_163, %lt3A_165 : i1
      %and3A = arith.andi %ne3A_166, %ne3A_162 : i1
      %add3A_167 = arith.addi %rem3A, %select_n3A_161 : i32
      %select_n3A_168 = arith.select %and3A, %add3A_167, %rem3A : i32
      %dma_wait3A = arith.constant 0 : i32
      %dma_wait3A_169 = arith.constant 0 : i32
      %dma_wait3A_170 = tpu.memref_slice %arg11[%select_n3A_168, %dma_wait3A, %dma_wait3A_169] : memref<3x256x64xf32, #tpu.memory_space<vmem>> -> memref<1x256x64xf32, #tpu.memory_space<vmem>>
      %dma_wait3A_171 = tpu.memref_squeeze %dma_wait3A_170 : memref<1x256x64xf32, #tpu.memory_space<vmem>> -> memref<256x64xf32, #tpu.memory_space<vmem>>
      %dma_wait3A_172 = arith.constant 0 : i32
      %dma_wait3A_173 = tpu.memref_slice %arg9[%while3A_157, %dma_wait3A_172] : memref<56x256xi32, #tpu.memory_space<vmem>> -> memref<1x256xi32, #tpu.memory_space<vmem>>
      %dma_wait3A_174 = tpu.memref_squeeze %dma_wait3A_173 : memref<1x256xi32, #tpu.memory_space<vmem>> -> memref<256xi32, #tpu.memory_space<vmem>>
      %dma_wait3A_175 = arith.constant 0 : i32
      %dma_wait3A_176 = arith.constant 0 : i32
      %dma_wait3A_177 = tpu.memref_slice %arg4[%dma_wait3A_175, %dma_wait3A_176] : memref<10000x64xf32, #tpu.memory_space<hbm>> -> memref<10000x64xf32, #tpu.memory_space<hbm>>
      %dma_wait3A_178 = tpu.memref_slice %arg15[%select_n3A_168] : memref<3x!tpu.dma_semaphore, #tpu.memory_space<semaphore_mem>> -> memref<1x!tpu.dma_semaphore, #tpu.memory_space<semaphore_mem>>
      %dma_wait3A_179 = tpu.memref_squeeze %dma_wait3A_178 : memref<1x!tpu.dma_semaphore, #tpu.memory_space<semaphore_mem>> -> memref<!tpu.dma_semaphore, #tpu.memory_space<semaphore_mem>>
      tpu.wait_indirect_dma semaphore(%dma_wait3A_179 : memref<!tpu.dma_semaphore, #tpu.memory_space<semaphore_mem>>) src(%dma_wait3A_177 : memref<10000x64xf32, #tpu.memory_space<hbm>>) dst(%dma_wait3A_171 : memref<256x64xf32, #tpu.memory_space<vmem>>)
      %dma_start3A_180 = arith.constant 0 : i32
      %dma_start3A_181 = arith.constant 0 : i32
      %dma_start3A_182 = tpu.memref_slice %arg11[%select_n3A_168, %dma_start3A_180, %dma_start3A_181] : memref<3x256x64xf32, #tpu.memory_space<vmem>> -> memref<1x256x64xf32, #tpu.memory_space<vmem>>
      %dma_start3A_183 = tpu.memref_squeeze %dma_start3A_182 : memref<1x256x64xf32, #tpu.memory_space<vmem>> -> memref<256x64xf32, #tpu.memory_space<vmem>>
      %dma_start3A_184 = arith.constant 0 : i32
      %dma_start3A_185 = tpu.memref_slice %arg10[%while3A_157, %dma_start3A_184] : memref<56x256xi32, #tpu.memory_space<vmem>> -> memref<1x256xi32, #tpu.memory_space<vmem>>
      %dma_start3A_186 = tpu.memref_squeeze %dma_start3A_185 : memref<1x256xi32, #tpu.memory_space<vmem>> -> memref<256xi32, #tpu.memory_space<vmem>>
      %dma_start3A_187 = arith.constant 0 : i32
      %dma_start3A_188 = arith.constant 0 : i32
      %dma_start3A_189 = tpu.memref_slice %arg13[%dma_start3A_187, %dma_start3A_188] : memref<10240x64xf32, #tpu.memory_space<vmem_shared>> -> memref<10240x64xf32, #tpu.memory_space<vmem_shared>>
      %dma_start3A_190 = tpu.memref_slice %arg16[%select_n3A_168] : memref<3x!tpu.dma_semaphore, #tpu.memory_space<semaphore_mem>> -> memref<1x!tpu.dma_semaphore, #tpu.memory_space<semaphore_mem>>
      %dma_start3A_191 = tpu.memref_squeeze %dma_start3A_190 : memref<1x!tpu.dma_semaphore, #tpu.memory_space<semaphore_mem>> -> memref<!tpu.dma_semaphore, #tpu.memory_space<semaphore_mem>>
      tpu.enqueue_indirect_dma source(%dma_start3A_183 : memref<256x64xf32, #tpu.memory_space<vmem>>) target(%dma_start3A_189 : memref<10240x64xf32, #tpu.memory_space<vmem_shared>>) offsets(%dma_start3A_186 : memref<256xi32, #tpu.memory_space<vmem>>) semaphore(%dma_start3A_191 : memref<!tpu.dma_semaphore, #tpu.memory_space<semaphore_mem>>) {add = true}
      %dma_start3A_192 = arith.constant 0 : i32
      %dma_start3A_193 = tpu.memref_slice %arg10[%while3A_157, %dma_start3A_192] : memref<56x256xi32, #tpu.memory_space<vmem>> -> memref<1x256xi32, #tpu.memory_space<vmem>>
      %dma_start3A_194 = tpu.memref_squeeze %dma_start3A_193 : memref<1x256xi32, #tpu.memory_space<vmem>> -> memref<256xi32, #tpu.memory_space<vmem>>
      %dma_start3A_195 = arith.constant 0 : i32
      %dma_start3A_196 = tpu.memref_slice %arg14[%dma_start3A_195] : memref<10240xf32, #tpu.memory_space<vmem_shared>> -> memref<10240xf32, #tpu.memory_space<vmem_shared>>
      tpu.enqueue_indirect_dma source(%arg12 : memref<256xf32, #tpu.memory_space<vmem>>) target(%dma_start3A_196 : memref<10240xf32, #tpu.memory_space<vmem_shared>>) offsets(%dma_start3A_194 : memref<256xi32, #tpu.memory_space<vmem>>) semaphore(%arg17 : memref<!tpu.dma_semaphore, #tpu.memory_space<semaphore_mem>>) {add = true}
      %add3A_197 = arith.constant 2 : i32
      %add3A_198 = arith.addi %while3A_157, %add3A_197 : i32
      %jit3A_199 = arith.constant 3 : i32
      %eq3A_200 = arith.constant 0 : i32
      %eq3A_201 = arith.cmpi eq, %jit3A_199, %eq3A_200 : i32
      %jit3A_202 = arith.constant 1 : i32
      %select_n3A_203 = arith.select %eq3A_201, %jit3A_202, %jit3A_199 : i32
      %rem3A_204 = arith.remsi %add3A_198, %select_n3A_203 : i32
      %ne3A_205 = arith.constant 0 : i32
      %ne3A_206 = arith.cmpi ne, %rem3A_204, %ne3A_205 : i32
      %lt3A_207 = arith.constant 0 : i32
      %lt3A_208 = arith.cmpi slt, %rem3A_204, %lt3A_207 : i32
      %lt3A_209 = arith.constant 0 : i32
      %lt3A_210 = arith.cmpi slt, %select_n3A_203, %lt3A_209 : i32
      %ne3A_211 = arith.xori %lt3A_208, %lt3A_210 : i1
      %and3A_212 = arith.andi %ne3A_211, %ne3A_206 : i1
      %add3A_213 = arith.addi %rem3A_204, %select_n3A_203 : i32
      %select_n3A_214 = arith.select %and3A_212, %add3A_213, %rem3A_204 : i32
      %lt3A_215 = arith.cmpi slt, %add3A_198, %select_n3A_2 : i32
      %convert_element_type3A = arith.extui %lt3A_215 : i1 to i32
      %cond3A = arith.constant 0 : i32
      %cond3A_216 = arith.cmpi ne, %convert_element_type3A, %cond3A : i32
      scf.if %cond3A_216 {
        %ge3A = arith.constant 3 : i32
        %ge3A_217 = arith.cmpi sge, %add3A_198, %ge3A : i32
        %convert_element_type3A_218 = arith.extui %ge3A_217 : i1 to i32
        %cond3A_219 = arith.constant 0 : i32
        %cond3A_220 = arith.cmpi ne, %convert_element_type3A_218, %cond3A_219 : i32
        scf.if %cond3A_220 {
          %sub3A = arith.constant 3 : i32
          %sub3A_233 = arith.subi %add3A_198, %sub3A : i32
          %dma_wait3A_234 = arith.constant 0 : i32
          %dma_wait3A_235 = arith.constant 0 : i32
          %dma_wait3A_236 = tpu.memref_slice %arg11[%select_n3A_214, %dma_wait3A_234, %dma_wait3A_235] : memref<3x256x64xf32, #tpu.memory_space<vmem>> -> memref<1x256x64xf32, #tpu.memory_space<vmem>>
          %dma_wait3A_237 = tpu.memref_squeeze %dma_wait3A_236 : memref<1x256x64xf32, #tpu.memory_space<vmem>> -> memref<256x64xf32, #tpu.memory_space<vmem>>
          %dma_wait3A_238 = arith.constant 0 : i32
          %dma_wait3A_239 = tpu.memref_slice %arg10[%sub3A_233, %dma_wait3A_238] : memref<56x256xi32, #tpu.memory_space<vmem>> -> memref<1x256xi32, #tpu.memory_space<vmem>>
          %dma_wait3A_240 = tpu.memref_squeeze %dma_wait3A_239 : memref<1x256xi32, #tpu.memory_space<vmem>> -> memref<256xi32, #tpu.memory_space<vmem>>
          %dma_wait3A_241 = arith.constant 0 : i32
          %dma_wait3A_242 = arith.constant 0 : i32
          %dma_wait3A_243 = tpu.memref_slice %arg13[%dma_wait3A_241, %dma_wait3A_242] : memref<10240x64xf32, #tpu.memory_space<vmem_shared>> -> memref<10240x64xf32, #tpu.memory_space<vmem_shared>>
          %dma_wait3A_244 = tpu.memref_slice %arg16[%select_n3A_214] : memref<3x!tpu.dma_semaphore, #tpu.memory_space<semaphore_mem>> -> memref<1x!tpu.dma_semaphore, #tpu.memory_space<semaphore_mem>>
          %dma_wait3A_245 = tpu.memref_squeeze %dma_wait3A_244 : memref<1x!tpu.dma_semaphore, #tpu.memory_space<semaphore_mem>> -> memref<!tpu.dma_semaphore, #tpu.memory_space<semaphore_mem>>
          tpu.wait_indirect_dma semaphore(%dma_wait3A_245 : memref<!tpu.dma_semaphore, #tpu.memory_space<semaphore_mem>>) src(%dma_wait3A_237 : memref<256x64xf32, #tpu.memory_space<vmem>>) dst(%dma_wait3A_243 : memref<10240x64xf32, #tpu.memory_space<vmem_shared>>)
        } else {
        }
        %dma_start3A_221 = arith.constant 0 : i32
        %dma_start3A_222 = arith.constant 0 : i32
        %dma_start3A_223 = tpu.memref_slice %arg11[%select_n3A_214, %dma_start3A_221, %dma_start3A_222] : memref<3x256x64xf32, #tpu.memory_space<vmem>> -> memref<1x256x64xf32, #tpu.memory_space<vmem>>
        %dma_start3A_224 = tpu.memref_squeeze %dma_start3A_223 : memref<1x256x64xf32, #tpu.memory_space<vmem>> -> memref<256x64xf32, #tpu.memory_space<vmem>>
        %dma_start3A_225 = arith.constant 0 : i32
        %dma_start3A_226 = tpu.memref_slice %arg9[%add3A_198, %dma_start3A_225] : memref<56x256xi32, #tpu.memory_space<vmem>> -> memref<1x256xi32, #tpu.memory_space<vmem>>
        %dma_start3A_227 = tpu.memref_squeeze %dma_start3A_226 : memref<1x256xi32, #tpu.memory_space<vmem>> -> memref<256xi32, #tpu.memory_space<vmem>>
        %dma_start3A_228 = arith.constant 0 : i32
        %dma_start3A_229 = arith.constant 0 : i32
        %dma_start3A_230 = tpu.memref_slice %arg4[%dma_start3A_228, %dma_start3A_229] : memref<10000x64xf32, #tpu.memory_space<hbm>> -> memref<10000x64xf32, #tpu.memory_space<hbm>>
        %dma_start3A_231 = tpu.memref_slice %arg15[%select_n3A_214] : memref<3x!tpu.dma_semaphore, #tpu.memory_space<semaphore_mem>> -> memref<1x!tpu.dma_semaphore, #tpu.memory_space<semaphore_mem>>
        %dma_start3A_232 = tpu.memref_squeeze %dma_start3A_231 : memref<1x!tpu.dma_semaphore, #tpu.memory_space<semaphore_mem>> -> memref<!tpu.dma_semaphore, #tpu.memory_space<semaphore_mem>>
        tpu.enqueue_indirect_dma source(%dma_start3A_230 : memref<10000x64xf32, #tpu.memory_space<hbm>>) target(%dma_start3A_224 : memref<256x64xf32, #tpu.memory_space<vmem>>) offsets(%dma_start3A_227 : memref<256xi32, #tpu.memory_space<vmem>>) semaphore(%dma_start3A_232 : memref<!tpu.dma_semaphore, #tpu.memory_space<semaphore_mem>>)
      } else {
      }
    }
    %while3A_142 = arith.constant 1 : i32
    scf.for %while3A_157 = %while3A_140 to %while3A_136 step %while3A_142  : i32 {
      %jit3A = arith.constant 3 : i32
      %eq3A_158 = arith.constant 0 : i32
      %eq3A_159 = arith.cmpi eq, %jit3A, %eq3A_158 : i32
      %jit3A_160 = arith.constant 1 : i32
      %select_n3A_161 = arith.select %eq3A_159, %jit3A_160, %jit3A : i32
      %rem3A = arith.remsi %while3A_157, %select_n3A_161 : i32
      %ne3A = arith.constant 0 : i32
      %ne3A_162 = arith.cmpi ne, %rem3A, %ne3A : i32
      %lt3A = arith.constant 0 : i32
      %lt3A_163 = arith.cmpi slt, %rem3A, %lt3A : i32
      %lt3A_164 = arith.constant 0 : i32
      %lt3A_165 = arith.cmpi slt, %select_n3A_161, %lt3A_164 : i32
      %ne3A_166 = arith.xori %lt3A_163, %lt3A_165 : i1
      %and3A = arith.andi %ne3A_166, %ne3A_162 : i1
      %add3A_167 = arith.addi %rem3A, %select_n3A_161 : i32
      %select_n3A_168 = arith.select %and3A, %add3A_167, %rem3A : i32
      %dma_wait3A = arith.constant 0 : i32
      %dma_wait3A_169 = arith.constant 0 : i32
      %dma_wait3A_170 = tpu.memref_slice %arg11[%select_n3A_168, %dma_wait3A, %dma_wait3A_169] : memref<3x256x64xf32, #tpu.memory_space<vmem>> -> memref<1x256x64xf32, #tpu.memory_space<vmem>>
      %dma_wait3A_171 = tpu.memref_squeeze %dma_wait3A_170 : memref<1x256x64xf32, #tpu.memory_space<vmem>> -> memref<256x64xf32, #tpu.memory_space<vmem>>
      %dma_wait3A_172 = arith.constant 0 : i32
      %dma_wait3A_173 = tpu.memref_slice %arg9[%while3A_157, %dma_wait3A_172] : memref<56x256xi32, #tpu.memory_space<vmem>> -> memref<1x256xi32, #tpu.memory_space<vmem>>
      %dma_wait3A_174 = tpu.memref_squeeze %dma_wait3A_173 : memref<1x256xi32, #tpu.memory_space<vmem>> -> memref<256xi32, #tpu.memory_space<vmem>>
      %dma_wait3A_175 = arith.constant 0 : i32
      %dma_wait3A_176 = arith.constant 0 : i32
      %dma_wait3A_177 = tpu.memref_slice %arg4[%dma_wait3A_175, %dma_wait3A_176] : memref<10000x64xf32, #tpu.memory_space<hbm>> -> memref<10000x64xf32, #tpu.memory_space<hbm>>
      %dma_wait3A_178 = tpu.memref_slice %arg15[%select_n3A_168] : memref<3x!tpu.dma_semaphore, #tpu.memory_space<semaphore_mem>> -> memref<1x!tpu.dma_semaphore, #tpu.memory_space<semaphore_mem>>
      %dma_wait3A_179 = tpu.memref_squeeze %dma_wait3A_178 : memref<1x!tpu.dma_semaphore, #tpu.memory_space<semaphore_mem>> -> memref<!tpu.dma_semaphore, #tpu.memory_space<semaphore_mem>>
      tpu.wait_indirect_dma semaphore(%dma_wait3A_179 : memref<!tpu.dma_semaphore, #tpu.memory_space<semaphore_mem>>) src(%dma_wait3A_177 : memref<10000x64xf32, #tpu.memory_space<hbm>>) dst(%dma_wait3A_171 : memref<256x64xf32, #tpu.memory_space<vmem>>)
      %dma_start3A_180 = arith.constant 0 : i32
      %dma_start3A_181 = arith.constant 0 : i32
      %dma_start3A_182 = tpu.memref_slice %arg11[%select_n3A_168, %dma_start3A_180, %dma_start3A_181] : memref<3x256x64xf32, #tpu.memory_space<vmem>> -> memref<1x256x64xf32, #tpu.memory_space<vmem>>
      %dma_start3A_183 = tpu.memref_squeeze %dma_start3A_182 : memref<1x256x64xf32, #tpu.memory_space<vmem>> -> memref<256x64xf32, #tpu.memory_space<vmem>>
      %dma_start3A_184 = arith.constant 0 : i32
      %dma_start3A_185 = tpu.memref_slice %arg10[%while3A_157, %dma_start3A_184] : memref<56x256xi32, #tpu.memory_space<vmem>> -> memref<1x256xi32, #tpu.memory_space<vmem>>
      %dma_start3A_186 = tpu.memref_squeeze %dma_start3A_185 : memref<1x256xi32, #tpu.memory_space<vmem>> -> memref<256xi32, #tpu.memory_space<vmem>>
      %dma_start3A_187 = arith.constant 0 : i32
      %dma_start3A_188 = arith.constant 0 : i32
      %dma_start3A_189 = tpu.memref_slice %arg13[%dma_start3A_187, %dma_start3A_188] : memref<10240x64xf32, #tpu.memory_space<vmem_shared>> -> memref<10240x64xf32, #tpu.memory_space<vmem_shared>>
      %dma_start3A_190 = tpu.memref_slice %arg16[%select_n3A_168] : memref<3x!tpu.dma_semaphore, #tpu.memory_space<semaphore_mem>> -> memref<1x!tpu.dma_semaphore, #tpu.memory_space<semaphore_mem>>
      %dma_start3A_191 = tpu.memref_squeeze %dma_start3A_190 : memref<1x!tpu.dma_semaphore, #tpu.memory_space<semaphore_mem>> -> memref<!tpu.dma_semaphore, #tpu.memory_space<semaphore_mem>>
      tpu.enqueue_indirect_dma source(%dma_start3A_183 : memref<256x64xf32, #tpu.memory_space<vmem>>) target(%dma_start3A_189 : memref<10240x64xf32, #tpu.memory_space<vmem_shared>>) offsets(%dma_start3A_186 : memref<256xi32, #tpu.memory_space<vmem>>) semaphore(%dma_start3A_191 : memref<!tpu.dma_semaphore, #tpu.memory_space<semaphore_mem>>) {add = true}
      %dma_start3A_192 = arith.constant 0 : i32
      %dma_start3A_193 = tpu.memref_slice %arg10[%while3A_157, %dma_start3A_192] : memref<56x256xi32, #tpu.memory_space<vmem>> -> memref<1x256xi32, #tpu.memory_space<vmem>>
      %dma_start3A_194 = tpu.memref_squeeze %dma_start3A_193 : memref<1x256xi32, #tpu.memory_space<vmem>> -> memref<256xi32, #tpu.memory_space<vmem>>
      %dma_start3A_195 = arith.constant 0 : i32
      %dma_start3A_196 = tpu.memref_slice %arg14[%dma_start3A_195] : memref<10240xf32, #tpu.memory_space<vmem_shared>> -> memref<10240xf32, #tpu.memory_space<vmem_shared>>
      tpu.enqueue_indirect_dma source(%arg12 : memref<256xf32, #tpu.memory_space<vmem>>) target(%dma_start3A_196 : memref<10240xf32, #tpu.memory_space<vmem_shared>>) offsets(%dma_start3A_194 : memref<256xi32, #tpu.memory_space<vmem>>) semaphore(%arg17 : memref<!tpu.dma_semaphore, #tpu.memory_space<semaphore_mem>>) {add = true}
      %add3A_197 = arith.constant 2 : i32
      %add3A_198 = arith.addi %while3A_157, %add3A_197 : i32
      %jit3A_199 = arith.constant 3 : i32
      %eq3A_200 = arith.constant 0 : i32
      %eq3A_201 = arith.cmpi eq, %jit3A_199, %eq3A_200 : i32
      %jit3A_202 = arith.constant 1 : i32
      %select_n3A_203 = arith.select %eq3A_201, %jit3A_202, %jit3A_199 : i32
      %rem3A_204 = arith.remsi %add3A_198, %select_n3A_203 : i32
      %ne3A_205 = arith.constant 0 : i32
      %ne3A_206 = arith.cmpi ne, %rem3A_204, %ne3A_205 : i32
      %lt3A_207 = arith.constant 0 : i32
      %lt3A_208 = arith.cmpi slt, %rem3A_204, %lt3A_207 : i32
      %lt3A_209 = arith.constant 0 : i32
      %lt3A_210 = arith.cmpi slt, %select_n3A_203, %lt3A_209 : i32
      %ne3A_211 = arith.xori %lt3A_208, %lt3A_210 : i1
      %and3A_212 = arith.andi %ne3A_211, %ne3A_206 : i1
      %add3A_213 = arith.addi %rem3A_204, %select_n3A_203 : i32
      %select_n3A_214 = arith.select %and3A_212, %add3A_213, %rem3A_204 : i32
      %lt3A_215 = arith.cmpi slt, %add3A_198, %select_n3A_2 : i32
      %convert_element_type3A = arith.extui %lt3A_215 : i1 to i32
      %cond3A = arith.constant 0 : i32
      %cond3A_216 = arith.cmpi ne, %convert_element_type3A, %cond3A : i32
      scf.if %cond3A_216 {
        %ge3A = arith.constant 3 : i32
        %ge3A_217 = arith.cmpi sge, %add3A_198, %ge3A : i32
        %convert_element_type3A_218 = arith.extui %ge3A_217 : i1 to i32
        %cond3A_219 = arith.constant 0 : i32
        %cond3A_220 = arith.cmpi ne, %convert_element_type3A_218, %cond3A_219 : i32
        scf.if %cond3A_220 {
          %sub3A = arith.constant 3 : i32
          %sub3A_233 = arith.subi %add3A_198, %sub3A : i32
          %dma_wait3A_234 = arith.constant 0 : i32
          %dma_wait3A_235 = arith.constant 0 : i32
          %dma_wait3A_236 = tpu.memref_slice %arg11[%select_n3A_214, %dma_wait3A_234, %dma_wait3A_235] : memref<3x256x64xf32, #tpu.memory_space<vmem>> -> memref<1x256x64xf32, #tpu.memory_space<vmem>>
          %dma_wait3A_237 = tpu.memref_squeeze %dma_wait3A_236 : memref<1x256x64xf32, #tpu.memory_space<vmem>> -> memref<256x64xf32, #tpu.memory_space<vmem>>
          %dma_wait3A_238 = arith.constant 0 : i32
          %dma_wait3A_239 = tpu.memref_slice %arg10[%sub3A_233, %dma_wait3A_238] : memref<56x256xi32, #tpu.memory_space<vmem>> -> memref<1x256xi32, #tpu.memory_space<vmem>>
          %dma_wait3A_240 = tpu.memref_squeeze %dma_wait3A_239 : memref<1x256xi32, #tpu.memory_space<vmem>> -> memref<256xi32, #tpu.memory_space<vmem>>
          %dma_wait3A_241 = arith.constant 0 : i32
          %dma_wait3A_242 = arith.constant 0 : i32
          %dma_wait3A_243 = tpu.memref_slice %arg13[%dma_wait3A_241, %dma_wait3A_242] : memref<10240x64xf32, #tpu.memory_space<vmem_shared>> -> memref<10240x64xf32, #tpu.memory_space<vmem_shared>>
          %dma_wait3A_244 = tpu.memref_slice %arg16[%select_n3A_214] : memref<3x!tpu.dma_semaphore, #tpu.memory_space<semaphore_mem>> -> memref<1x!tpu.dma_semaphore, #tpu.memory_space<semaphore_mem>>
          %dma_wait3A_245 = tpu.memref_squeeze %dma_wait3A_244 : memref<1x!tpu.dma_semaphore, #tpu.memory_space<semaphore_mem>> -> memref<!tpu.dma_semaphore, #tpu.memory_space<semaphore_mem>>
          tpu.wait_indirect_dma semaphore(%dma_wait3A_245 : memref<!tpu.dma_semaphore, #tpu.memory_space<semaphore_mem>>) src(%dma_wait3A_237 : memref<256x64xf32, #tpu.memory_space<vmem>>) dst(%dma_wait3A_243 : memref<10240x64xf32, #tpu.memory_space<vmem_shared>>)
        } else {
        }
        %dma_start3A_221 = arith.constant 0 : i32
        %dma_start3A_222 = arith.constant 0 : i32
        %dma_start3A_223 = tpu.memref_slice %arg11[%select_n3A_214, %dma_start3A_221, %dma_start3A_222] : memref<3x256x64xf32, #tpu.memory_space<vmem>> -> memref<1x256x64xf32, #tpu.memory_space<vmem>>
        %dma_start3A_224 = tpu.memref_squeeze %dma_start3A_223 : memref<1x256x64xf32, #tpu.memory_space<vmem>> -> memref<256x64xf32, #tpu.memory_space<vmem>>
        %dma_start3A_225 = arith.constant 0 : i32
        %dma_start3A_226 = tpu.memref_slice %arg9[%add3A_198, %dma_start3A_225] : memref<56x256xi32, #tpu.memory_space<vmem>> -> memref<1x256xi32, #tpu.memory_space<vmem>>
        %dma_start3A_227 = tpu.memref_squeeze %dma_start3A_226 : memref<1x256xi32, #tpu.memory_space<vmem>> -> memref<256xi32, #tpu.memory_space<vmem>>
        %dma_start3A_228 = arith.constant 0 : i32
        %dma_start3A_229 = arith.constant 0 : i32
        %dma_start3A_230 = tpu.memref_slice %arg4[%dma_start3A_228, %dma_start3A_229] : memref<10000x64xf32, #tpu.memory_space<hbm>> -> memref<10000x64xf32, #tpu.memory_space<hbm>>
        %dma_start3A_231 = tpu.memref_slice %arg15[%select_n3A_214] : memref<3x!tpu.dma_semaphore, #tpu.memory_space<semaphore_mem>> -> memref<1x!tpu.dma_semaphore, #tpu.memory_space<semaphore_mem>>
        %dma_start3A_232 = tpu.memref_squeeze %dma_start3A_231 : memref<1x!tpu.dma_semaphore, #tpu.memory_space<semaphore_mem>> -> memref<!tpu.dma_semaphore, #tpu.memory_space<semaphore_mem>>
        tpu.enqueue_indirect_dma source(%dma_start3A_230 : memref<10000x64xf32, #tpu.memory_space<hbm>>) target(%dma_start3A_224 : memref<256x64xf32, #tpu.memory_space<vmem>>) offsets(%dma_start3A_227 : memref<256xi32, #tpu.memory_space<vmem>>) semaphore(%dma_start3A_232 : memref<!tpu.dma_semaphore, #tpu.memory_space<semaphore_mem>>)
      } else {
      }
    }
    %scan3A = arith.constant 0 : i32
    %scan3A_143 = arith.constant 3 : i32
    %scan3A_144 = arith.addi %scan3A, %scan3A_143 : i32
    %scan3A_145 = arith.constant 1 : i32
    scf.for %scan3A_157 = %scan3A to %scan3A_144 step %scan3A_145  : i32 {
      %sub3A = arith.constant 3 : i32
      %sub3A_158 = arith.subi %select_n3A_2, %sub3A : i32
      %add3A_159 = arith.addi %sub3A_158, %scan3A_157 : i32
      %jit3A = arith.constant 3 : i32
      %eq3A_160 = arith.constant 0 : i32
      %eq3A_161 = arith.cmpi eq, %jit3A, %eq3A_160 : i32
      %jit3A_162 = arith.constant 1 : i32
      %select_n3A_163 = arith.select %eq3A_161, %jit3A_162, %jit3A : i32
      %rem3A = arith.remsi %add3A_159, %select_n3A_163 : i32
      %ne3A = arith.constant 0 : i32
      %ne3A_164 = arith.cmpi ne, %rem3A, %ne3A : i32
      %lt3A = arith.constant 0 : i32
      %lt3A_165 = arith.cmpi slt, %rem3A, %lt3A : i32
      %lt3A_166 = arith.constant 0 : i32
      %lt3A_167 = arith.cmpi slt, %select_n3A_163, %lt3A_166 : i32
      %ne3A_168 = arith.xori %lt3A_165, %lt3A_167 : i1
      %and3A = arith.andi %ne3A_168, %ne3A_164 : i1
      %add3A_169 = arith.addi %rem3A, %select_n3A_163 : i32
      %select_n3A_170 = arith.select %and3A, %add3A_169, %rem3A : i32
      %dma_wait3A = arith.constant 0 : i32
      %dma_wait3A_171 = arith.constant 0 : i32
      %dma_wait3A_172 = tpu.memref_slice %arg11[%select_n3A_170, %dma_wait3A, %dma_wait3A_171] : memref<3x256x64xf32, #tpu.memory_space<vmem>> -> memref<1x256x64xf32, #tpu.memory_space<vmem>>
      %dma_wait3A_173 = tpu.memref_squeeze %dma_wait3A_172 : memref<1x256x64xf32, #tpu.memory_space<vmem>> -> memref<256x64xf32, #tpu.memory_space<vmem>>
      %dma_wait3A_174 = arith.constant 0 : i32
      %dma_wait3A_175 = tpu.memref_slice %arg10[%add3A_159, %dma_wait3A_174] : memref<56x256xi32, #tpu.memory_space<vmem>> -> memref<1x256xi32, #tpu.memory_space<vmem>>
      %dma_wait3A_176 = tpu.memref_squeeze %dma_wait3A_175 : memref<1x256xi32, #tpu.memory_space<vmem>> -> memref<256xi32, #tpu.memory_space<vmem>>
      %dma_wait3A_177 = arith.constant 0 : i32
      %dma_wait3A_178 = arith.constant 0 : i32
      %dma_wait3A_179 = tpu.memref_slice %arg13[%dma_wait3A_177, %dma_wait3A_178] : memref<10240x64xf32, #tpu.memory_space<vmem_shared>> -> memref<10240x64xf32, #tpu.memory_space<vmem_shared>>
      %dma_wait3A_180 = tpu.memref_slice %arg16[%select_n3A_170] : memref<3x!tpu.dma_semaphore, #tpu.memory_space<semaphore_mem>> -> memref<1x!tpu.dma_semaphore, #tpu.memory_space<semaphore_mem>>
      %dma_wait3A_181 = tpu.memref_squeeze %dma_wait3A_180 : memref<1x!tpu.dma_semaphore, #tpu.memory_space<semaphore_mem>> -> memref<!tpu.dma_semaphore, #tpu.memory_space<semaphore_mem>>
      tpu.wait_indirect_dma semaphore(%dma_wait3A_181 : memref<!tpu.dma_semaphore, #tpu.memory_space<semaphore_mem>>) src(%dma_wait3A_173 : memref<256x64xf32, #tpu.memory_space<vmem>>) dst(%dma_wait3A_179 : memref<10240x64xf32, #tpu.memory_space<vmem_shared>>)
    }
    %scan3A_146 = arith.constant 3 : i32
    %while3A_147 = arith.constant 0 : i32
    %while3A_148 = arith.subi %select_n3A_2, %while3A_147 : i32
    %while3A_149 = arith.addi %while3A_147, %while3A_148 : i32
    %while3A_150 = arith.constant 1 : i32
    %while3A_151 = arith.divsi %while3A_148, %while3A_150 : i32
    %while3A_152 = arith.muli %while3A_151, %while3A_150 : i32
    %while3A_153 = arith.addi %while3A_147, %while3A_152 : i32
    %while3A_154 = arith.constant 1 : i32
    scf.for %while3A_157 = %while3A_147 to %while3A_153 step %while3A_154  : i32 {
      %dma_wait3A = arith.constant 0 : i32
      %dma_wait3A_158 = arith.constant 0 : i32
      %dma_wait3A_159 = tpu.memref_slice %arg10[%dma_wait3A, %dma_wait3A_158] : memref<56x256xi32, #tpu.memory_space<vmem>> -> memref<1x256xi32, #tpu.memory_space<vmem>>
      %dma_wait3A_160 = tpu.memref_squeeze %dma_wait3A_159 : memref<1x256xi32, #tpu.memory_space<vmem>> -> memref<256xi32, #tpu.memory_space<vmem>>
      %dma_wait3A_161 = arith.constant 0 : i32
      %dma_wait3A_162 = tpu.memref_slice %arg14[%dma_wait3A_161] : memref<10240xf32, #tpu.memory_space<vmem_shared>> -> memref<10240xf32, #tpu.memory_space<vmem_shared>>
      tpu.wait_indirect_dma semaphore(%arg17 : memref<!tpu.dma_semaphore, #tpu.memory_space<semaphore_mem>>) src(%arg12 : memref<256xf32, #tpu.memory_space<vmem>>) dst(%dma_wait3A_162 : memref<10240xf32, #tpu.memory_space<vmem_shared>>)
    }
    %while3A_155 = arith.constant 1 : i32
    scf.for %while3A_157 = %while3A_153 to %while3A_149 step %while3A_155  : i32 {
      %dma_wait3A = arith.constant 0 : i32
      %dma_wait3A_158 = arith.constant 0 : i32
      %dma_wait3A_159 = tpu.memref_slice %arg10[%dma_wait3A, %dma_wait3A_158] : memref<56x256xi32, #tpu.memory_space<vmem>> -> memref<1x256xi32, #tpu.memory_space<vmem>>
      %dma_wait3A_160 = tpu.memref_squeeze %dma_wait3A_159 : memref<1x256xi32, #tpu.memory_space<vmem>> -> memref<256xi32, #tpu.memory_space<vmem>>
      %dma_wait3A_161 = arith.constant 0 : i32
      %dma_wait3A_162 = tpu.memref_slice %arg14[%dma_wait3A_161] : memref<10240xf32, #tpu.memory_space<vmem_shared>> -> memref<10240xf32, #tpu.memory_space<vmem_shared>>
      tpu.wait_indirect_dma semaphore(%arg17 : memref<!tpu.dma_semaphore, #tpu.memory_space<semaphore_mem>>) src(%arg12 : memref<256xf32, #tpu.memory_space<vmem>>) dst(%dma_wait3A_162 : memref<10240xf32, #tpu.memory_space<vmem_shared>>)
    }
    %barrier3A_156 = arith.constant 0 : index
    tpu.barrier barrier_id(%barrier3A_156)
    "tpu.region"() ({
      %run_scoped3A = tpu.sem_alloc : memref<!tpu.dma_semaphore, #tpu.memory_space<semaphore_mem>>
      %dma_start3A_157 = arith.constant 0 : i32
      %dma_start3A_158 = tpu.memref_slice %arg7[%arg0, %mul3A_11, %dma_start3A_157] : memref<2x10240x64xf32, #tpu.memory_space<hbm>> -> memref<1x640x64xf32, #tpu.memory_space<hbm>>
      %dma_start3A_159 = tpu.memref_squeeze %dma_start3A_158 : memref<1x640x64xf32, #tpu.memory_space<hbm>> -> memref<640x64xf32, #tpu.memory_space<hbm>>
      %dma_start3A_160 = arith.constant 0 : i32
      %dma_start3A_161 = tpu.memref_slice %arg13[%mul3A_11, %dma_start3A_160] : memref<10240x64xf32, #tpu.memory_space<vmem_shared>> -> memref<640x64xf32, #tpu.memory_space<vmem_shared>>
      tpu.enqueue_dma source(%dma_start3A_161 : memref<640x64xf32, #tpu.memory_space<vmem_shared>>) target(%dma_start3A_159 : memref<640x64xf32, #tpu.memory_space<hbm>>) target_semaphore(%run_scoped3A : memref<!tpu.dma_semaphore, #tpu.memory_space<semaphore_mem>>)
      %dma_wait3A = arith.constant 0 : i32
      %dma_wait3A_162 = tpu.memref_slice %arg7[%arg0, %mul3A_11, %dma_wait3A] : memref<2x10240x64xf32, #tpu.memory_space<hbm>> -> memref<1x640x64xf32, #tpu.memory_space<hbm>>
      %dma_wait3A_163 = tpu.memref_squeeze %dma_wait3A_162 : memref<1x640x64xf32, #tpu.memory_space<hbm>> -> memref<640x64xf32, #tpu.memory_space<hbm>>
      %dma_wait3A_164 = arith.constant 0 : i32
      %dma_wait3A_165 = tpu.memref_slice %arg13[%mul3A_11, %dma_wait3A_164] : memref<10240x64xf32, #tpu.memory_space<vmem_shared>> -> memref<640x64xf32, #tpu.memory_space<vmem_shared>>
      tpu.wait_dma2 semaphore(%run_scoped3A : memref<!tpu.dma_semaphore, #tpu.memory_space<semaphore_mem>>) src(%dma_wait3A_165 : memref<640x64xf32, #tpu.memory_space<vmem_shared>>) dst(%dma_wait3A_163 : memref<640x64xf32, #tpu.memory_space<hbm>>)
      tpu.yield
    }) : () -> ()
    "tpu.region"() ({
      %run_scoped3A = tpu.sem_alloc : memref<!tpu.dma_semaphore, #tpu.memory_space<semaphore_mem>>
      %dma_start3A_157 = tpu.memref_slice %arg8[%arg0, %mul3A_11] : memref<2x10240xf32, #tpu.memory_space<hbm>> -> memref<1x640xf32, #tpu.memory_space<hbm>>
      %dma_start3A_158 = tpu.memref_squeeze %dma_start3A_157 : memref<1x640xf32, #tpu.memory_space<hbm>> -> memref<640xf32, #tpu.memory_space<hbm>>
      %dma_start3A_159 = tpu.memref_slice %arg14[%mul3A_11] : memref<10240xf32, #tpu.memory_space<vmem_shared>> -> memref<640xf32, #tpu.memory_space<vmem_shared>>
      tpu.enqueue_dma source(%dma_start3A_159 : memref<640xf32, #tpu.memory_space<vmem_shared>>) target(%dma_start3A_158 : memref<640xf32, #tpu.memory_space<hbm>>) target_semaphore(%run_scoped3A : memref<!tpu.dma_semaphore, #tpu.memory_space<semaphore_mem>>)
      %dma_wait3A = tpu.memref_slice %arg8[%arg0, %mul3A_11] : memref<2x10240xf32, #tpu.memory_space<hbm>> -> memref<1x640xf32, #tpu.memory_space<hbm>>
      %dma_wait3A_160 = tpu.memref_squeeze %dma_wait3A : memref<1x640xf32, #tpu.memory_space<hbm>> -> memref<640xf32, #tpu.memory_space<hbm>>
      %dma_wait3A_161 = tpu.memref_slice %arg14[%mul3A_11] : memref<10240xf32, #tpu.memory_space<vmem_shared>> -> memref<640xf32, #tpu.memory_space<vmem_shared>>
      tpu.wait_dma2 semaphore(%run_scoped3A : memref<!tpu.dma_semaphore, #tpu.memory_space<semaphore_mem>>) src(%dma_wait3A_161 : memref<640xf32, #tpu.memory_space<vmem_shared>>) dst(%dma_wait3A_160 : memref<640xf32, #tpu.memory_space<hbm>>)
      tpu.yield
    }) : () -> ()
    return
  }
}

module attributes {stable_mosaic.version = 14 : i64} {
  func.func @_proj1_body(%arg0: i32, %arg1: memref<2000x128xf32, #tpu.memory_space<vmem>>, %arg2: memref<128x64xf32, #tpu.memory_space<vmem>>, %arg3: memref<128x64xf32, #tpu.memory_space<vmem>>, %arg4: memref<1x64xf32, #tpu.memory_space<vmem>>, %arg5: memref<2000x64xf32, #tpu.memory_space<vmem>>, %arg6: memref<2000x64xf32, #tpu.memory_space<vmem>>) attributes {dimension_semantics = [#tpu.dimension_semantics<arbitrary>], iteration_bounds = array<i64: 5>, scalar_prefetch = 0 : i64, scratch_operands = 0 : i64, tpu.core_type = #tpu.core_type<tc>, window_params = [{transform_indices = @transform_0, window_bounds = array<i64: 2000, 128>}, {pipeline_mode = #tpu.pipeline_mode<synchronous>, transform_indices = @transform_1, window_bounds = array<i64: 128, 64>}, {pipeline_mode = #tpu.pipeline_mode<synchronous>, transform_indices = @transform_2, window_bounds = array<i64: 128, 64>}, {pipeline_mode = #tpu.pipeline_mode<synchronous>, transform_indices = @transform_3, window_bounds = array<i64: 1, 64>}, {transform_indices = @transform_4, window_bounds = array<i64: 2000, 64>}, {transform_indices = @transform_5, window_bounds = array<i64: 2000, 64>}]} {
    %get3A = arith.constant 0 : index
    %get3A_0 = arith.constant 0 : index
    %get3A_1 = vector.load %arg1[%get3A, %get3A_0] : memref<2000x128xf32, #tpu.memory_space<vmem>>, vector<2000x128xf32>
    %get3A_2 = arith.constant 0 : index
    %get3A_3 = arith.constant 0 : index
    %get3A_4 = vector.load %arg2[%get3A_2, %get3A_3] : memref<128x64xf32, #tpu.memory_space<vmem>>, vector<128x64xf32>
    %dot_general3A = arith.constant dense<0.000000e+00> : vector<2000x64xf32>
    %dot_general3A_5 = tpu.matmul %get3A_1, %get3A_4, %dot_general3A {dimension_numbers = #tpu.dot_dimension_numbers<[1], [0], [0], [1], [0, 0, 1, 1], [], []>, transpose_lhs_hint = false} : vector<2000x128xf32>, vector<128x64xf32>, vector<2000x64xf32> -> vector<2000x64xf32>
    %swap3A = arith.constant 0 : index
    %swap3A_6 = arith.constant 0 : index
    %swap3A_7 = vector.load %arg5[%swap3A, %swap3A_6] : memref<2000x64xf32, #tpu.memory_space<vmem>>, vector<2000x64xf32>
    tpu.vector_store %arg5[%swap3A, %swap3A_6], %dot_general3A_5 {strides = array<i32>} : memref<2000x64xf32, #tpu.memory_space<vmem>>, vector<2000x64xf32>,
    %get3A_8 = arith.constant 0 : index
    %get3A_9 = arith.constant 0 : index
    %get3A_10 = vector.load %arg3[%get3A_8, %get3A_9] : memref<128x64xf32, #tpu.memory_space<vmem>>, vector<128x64xf32>
    %dot_general3A_11 = arith.constant dense<0.000000e+00> : vector<2000x64xf32>
    %dot_general3A_12 = tpu.matmul %get3A_1, %get3A_10, %dot_general3A_11 {dimension_numbers = #tpu.dot_dimension_numbers<[1], [0], [0], [1], [0, 0, 1, 1], [], []>, transpose_lhs_hint = false} : vector<2000x128xf32>, vector<128x64xf32>, vector<2000x64xf32> -> vector<2000x64xf32>
    %get3A_13 = arith.constant 0 : index
    %get3A_14 = arith.constant 0 : index
    %get3A_15 = vector.load %arg4[%get3A_13, %get3A_14] : memref<1x64xf32, #tpu.memory_space<vmem>>, vector<1x64xf32>
    %add3A = vector.broadcast %get3A_15 : vector<1x64xf32> to vector<2000x64xf32>
    %add3A_16 = arith.addf %dot_general3A_12, %add3A : vector<2000x64xf32>
    %swap3A_17 = arith.constant 0 : index
    %swap3A_18 = arith.constant 0 : index
    %swap3A_19 = vector.load %arg6[%swap3A_17, %swap3A_18] : memref<2000x64xf32, #tpu.memory_space<vmem>>, vector<2000x64xf32>
    tpu.vector_store %arg6[%swap3A_17, %swap3A_18], %add3A_16 {strides = array<i32>} : memref<2000x64xf32, #tpu.memory_space<vmem>>, vector<2000x64xf32>,
    return
  }
  func.func @transform_0(%arg0: i32) -> (i32, i32) {
    %c0_i32 = arith.constant 0 : i32
    %c0_i32_0 = arith.constant 0 : i32
    return %arg0, %c0_i32 : i32, i32
  }
  func.func @transform_1(%arg0: i32) -> (i32, i32) {
    %c0_i32 = arith.constant 0 : i32
    %c0_i32_0 = arith.constant 0 : i32
    %c0_i32_1 = arith.constant 0 : i32
    return %c0_i32, %c0_i32_0 : i32, i32
  }
  func.func @transform_2(%arg0: i32) -> (i32, i32) {
    %c0_i32 = arith.constant 0 : i32
    %c0_i32_0 = arith.constant 0 : i32
    %c0_i32_1 = arith.constant 0 : i32
    return %c0_i32, %c0_i32_0 : i32, i32
  }
  func.func @transform_3(%arg0: i32) -> (i32, i32) {
    %c0_i32 = arith.constant 0 : i32
    %c0_i32_0 = arith.constant 0 : i32
    %c0_i32_1 = arith.constant 0 : i32
    return %c0_i32, %c0_i32_0 : i32, i32
  }
  func.func @transform_4(%arg0: i32) -> (i32, i32) {
    %c0_i32 = arith.constant 0 : i32
    %c0_i32_0 = arith.constant 0 : i32
    return %arg0, %c0_i32 : i32, i32
  }
  func.func @transform_5(%arg0: i32) -> (i32, i32) {
    %c0_i32 = arith.constant 0 : i32
    %c0_i32_0 = arith.constant 0 : i32
    return %arg0, %c0_i32 : i32, i32
  }
}

module attributes {stable_mosaic.version = 14 : i64} {
  func.func @_mid_body(%arg0: i32, %arg1: memref<2x2000x64xf32, #tpu.memory_space<vmem>>, %arg2: memref<2x2000x1xf32, #tpu.memory_space<vmem>>, %arg3: memref<2000x64xf32, #tpu.memory_space<vmem>>, %arg4: memref<64x32xf32, #tpu.memory_space<vmem>>, %arg5: memref<64x32xf32, #tpu.memory_space<vmem>>, %arg6: memref<1x32xf32, #tpu.memory_space<vmem>>, %arg7: memref<2000x32xf32, #tpu.memory_space<vmem>>, %arg8: memref<2000x32xf32, #tpu.memory_space<vmem>>, %arg9: memref<2000x1xf32, #tpu.memory_space<vmem>>) attributes {dimension_semantics = [#tpu.dimension_semantics<arbitrary>], iteration_bounds = array<i64: 5>, scalar_prefetch = 0 : i64, scratch_operands = 0 : i64, tpu.core_type = #tpu.core_type<tc>, window_params = [{transform_indices = @transform_0, window_bounds = array<i64: 2, 2000, 64>}, {transform_indices = @transform_1, window_bounds = array<i64: 2, 2000, 1>}, {transform_indices = @transform_2, window_bounds = array<i64: 2000, 64>}, {pipeline_mode = #tpu.pipeline_mode<synchronous>, transform_indices = @transform_3, window_bounds = array<i64: 64, 32>}, {pipeline_mode = #tpu.pipeline_mode<synchronous>, transform_indices = @transform_4, window_bounds = array<i64: 64, 32>}, {pipeline_mode = #tpu.pipeline_mode<synchronous>, transform_indices = @transform_5, window_bounds = array<i64: 1, 32>}, {transform_indices = @transform_6, window_bounds = array<i64: 2000, 32>}, {transform_indices = @transform_7, window_bounds = array<i64: 2000, 32>}, {transform_indices = @transform_8, window_bounds = array<i64: 2000, 1>}]} {
    %get3A = arith.constant 0 : index
    %get3A_0 = arith.constant 0 : index
    %get3A_1 = arith.constant 0 : index
    %get3A_2 = vector.load %arg2[%get3A, %get3A_0, %get3A_1] : memref<2x2000x1xf32, #tpu.memory_space<vmem>>, vector<1x2000x1xf32>
    %get3A_3 = vector.shape_cast %get3A_2 : vector<1x2000x1xf32> to vector<2000x1xf32>
    %get3A_4 = arith.constant 1 : index
    %get3A_5 = arith.constant 0 : index
    %get3A_6 = arith.constant 0 : index
    %get3A_7 = vector.load %arg2[%get3A_4, %get3A_5, %get3A_6] : memref<2x2000x1xf32, #tpu.memory_space<vmem>>, vector<1x2000x1xf32>
    %get3A_8 = vector.shape_cast %get3A_7 : vector<1x2000x1xf32> to vector<2000x1xf32>
    %add3A = arith.addf %get3A_3, %get3A_8 : vector<2000x1xf32>
    %max3A = arith.constant 1.000000e+00 : f32
    %max3A_9 = vector.broadcast %max3A : f32 to vector<2000x1xf32>
    %max3A_10 = arith.maximumf %add3A, %max3A_9 : vector<2000x1xf32>
    %div3A = arith.constant 1.000000e+00 : f32
    %div3A_11 = vector.broadcast %div3A : f32 to vector<2000x1xf32>
    %div3A_12 = arith.divf %div3A_11, %max3A_10 : vector<2000x1xf32>
    %get3A_13 = arith.constant 0 : index
    %get3A_14 = arith.constant 0 : index
    %get3A_15 = arith.constant 0 : index
    %get3A_16 = vector.load %arg1[%get3A_13, %get3A_14, %get3A_15] : memref<2x2000x64xf32, #tpu.memory_space<vmem>>, vector<1x2000x64xf32>
    %get3A_17 = vector.shape_cast %get3A_16 : vector<1x2000x64xf32> to vector<2000x64xf32>
    %get3A_18 = arith.constant 1 : index
    %get3A_19 = arith.constant 0 : index
    %get3A_20 = arith.constant 0 : index
    %get3A_21 = vector.load %arg1[%get3A_18, %get3A_19, %get3A_20] : memref<2x2000x64xf32, #tpu.memory_space<vmem>>, vector<1x2000x64xf32>
    %get3A_22 = vector.shape_cast %get3A_21 : vector<1x2000x64xf32> to vector<2000x64xf32>
    %add3A_23 = arith.addf %get3A_17, %get3A_22 : vector<2000x64xf32>
    %mul3A = vector.broadcast %div3A_12 : vector<2000x1xf32> to vector<2000x64xf32>
    %mul3A_24 = arith.mulf %add3A_23, %mul3A : vector<2000x64xf32>
    %get3A_25 = arith.constant 0 : index
    %get3A_26 = arith.constant 0 : index
    %get3A_27 = vector.load %arg3[%get3A_25, %get3A_26] : memref<2000x64xf32, #tpu.memory_space<vmem>>, vector<2000x64xf32>
    %add3A_28 = arith.addf %mul3A_24, %get3A_27 : vector<2000x64xf32>
    %max3A_29 = arith.constant 0.000000e+00 : f32
    %max3A_30 = vector.broadcast %max3A_29 : f32 to vector<2000x64xf32>
    %max3A_31 = arith.maximumf %add3A_28, %max3A_30 : vector<2000x64xf32>
    %get3A_32 = arith.constant 0 : index
    %get3A_33 = arith.constant 0 : index
    %get3A_34 = vector.load %arg4[%get3A_32, %get3A_33] : memref<64x32xf32, #tpu.memory_space<vmem>>, vector<64x32xf32>
    %dot_general3A = arith.constant dense<0.000000e+00> : vector<2000x32xf32>
    %dot_general3A_35 = tpu.matmul %max3A_31, %get3A_34, %dot_general3A {dimension_numbers = #tpu.dot_dimension_numbers<[1], [0], [0], [1], [0, 0, 1, 1], [], []>, transpose_lhs_hint = false} : vector<2000x64xf32>, vector<64x32xf32>, vector<2000x32xf32> -> vector<2000x32xf32>
    %swap3A = arith.constant 0 : index
    %swap3A_36 = arith.constant 0 : index
    %swap3A_37 = vector.load %arg7[%swap3A, %swap3A_36] : memref<2000x32xf32, #tpu.memory_space<vmem>>, vector<2000x32xf32>
    tpu.vector_store %arg7[%swap3A, %swap3A_36], %dot_general3A_35 {strides = array<i32>} : memref<2000x32xf32, #tpu.memory_space<vmem>>, vector<2000x32xf32>,
    %get3A_38 = arith.constant 0 : index
    %get3A_39 = arith.constant 0 : index
    %get3A_40 = vector.load %arg5[%get3A_38, %get3A_39] : memref<64x32xf32, #tpu.memory_space<vmem>>, vector<64x32xf32>
    %dot_general3A_41 = arith.constant dense<0.000000e+00> : vector<2000x32xf32>
    %dot_general3A_42 = tpu.matmul %max3A_31, %get3A_40, %dot_general3A_41 {dimension_numbers = #tpu.dot_dimension_numbers<[1], [0], [0], [1], [0, 0, 1, 1], [], []>, transpose_lhs_hint = false} : vector<2000x64xf32>, vector<64x32xf32>, vector<2000x32xf32> -> vector<2000x32xf32>
    %get3A_43 = arith.constant 0 : index
    %get3A_44 = arith.constant 0 : index
    %get3A_45 = vector.load %arg6[%get3A_43, %get3A_44] : memref<1x32xf32, #tpu.memory_space<vmem>>, vector<1x32xf32>
    %add3A_46 = vector.broadcast %get3A_45 : vector<1x32xf32> to vector<2000x32xf32>
    %add3A_47 = arith.addf %dot_general3A_42, %add3A_46 : vector<2000x32xf32>
    %swap3A_48 = arith.constant 0 : index
    %swap3A_49 = arith.constant 0 : index
    %swap3A_50 = vector.load %arg8[%swap3A_48, %swap3A_49] : memref<2000x32xf32, #tpu.memory_space<vmem>>, vector<2000x32xf32>
    tpu.vector_store %arg8[%swap3A_48, %swap3A_49], %add3A_47 {strides = array<i32>} : memref<2000x32xf32, #tpu.memory_space<vmem>>, vector<2000x32xf32>,
    %swap3A_51 = arith.constant 0 : index
    %swap3A_52 = arith.constant 0 : index
    %swap3A_53 = vector.load %arg9[%swap3A_51, %swap3A_52] : memref<2000x1xf32, #tpu.memory_space<vmem>>, vector<2000x1xf32>
    tpu.vector_store %arg9[%swap3A_51, %swap3A_52], %div3A_12 {strides = array<i32>} : memref<2000x1xf32, #tpu.memory_space<vmem>>, vector<2000x1xf32>,
    return
  }
  func.func @transform_0(%arg0: i32) -> (i32, i32, i32) {
    %c0_i32 = arith.constant 0 : i32
    %c0_i32_0 = arith.constant 0 : i32
    %c0_i32_1 = arith.constant 0 : i32
    return %c0_i32, %arg0, %c0_i32_0 : i32, i32, i32
  }
  func.func @transform_1(%arg0: i32) -> (i32, i32, i32) {
    %c0_i32 = arith.constant 0 : i32
    %c0_i32_0 = arith.constant 0 : i32
    %c0_i32_1 = arith.constant 0 : i32
    return %c0_i32, %arg0, %c0_i32_0 : i32, i32, i32
  }
  func.func @transform_2(%arg0: i32) -> (i32, i32) {
    %c0_i32 = arith.constant 0 : i32
    %c0_i32_0 = arith.constant 0 : i32
    return %arg0, %c0_i32 : i32, i32
  }
  func.func @transform_3(%arg0: i32) -> (i32, i32) {
    %c0_i32 = arith.constant 0 : i32
    %c0_i32_0 = arith.constant 0 : i32
    %c0_i32_1 = arith.constant 0 : i32
    return %c0_i32, %c0_i32_0 : i32, i32
  }
  func.func @transform_4(%arg0: i32) -> (i32, i32) {
    %c0_i32 = arith.constant 0 : i32
    %c0_i32_0 = arith.constant 0 : i32
    %c0_i32_1 = arith.constant 0 : i32
    return %c0_i32, %c0_i32_0 : i32, i32
  }
  func.func @transform_5(%arg0: i32) -> (i32, i32) {
    %c0_i32 = arith.constant 0 : i32
    %c0_i32_0 = arith.constant 0 : i32
    %c0_i32_1 = arith.constant 0 : i32
    return %c0_i32, %c0_i32_0 : i32, i32
  }
  func.func @transform_6(%arg0: i32) -> (i32, i32) {
    %c0_i32 = arith.constant 0 : i32
    %c0_i32_0 = arith.constant 0 : i32
    return %arg0, %c0_i32 : i32, i32
  }
  func.func @transform_7(%arg0: i32) -> (i32, i32) {
    %c0_i32 = arith.constant 0 : i32
    %c0_i32_0 = arith.constant 0 : i32
    return %arg0, %c0_i32 : i32, i32
  }
  func.func @transform_8(%arg0: i32) -> (i32, i32) {
    %c0_i32 = arith.constant 0 : i32
    %c0_i32_0 = arith.constant 0 : i32
    return %arg0, %c0_i32 : i32, i32
  }
}

module attributes {stable_mosaic.version = 14 : i64} {
  func.func @_fin_body(%arg0: i32, %arg1: memref<2x2000x32xf32, #tpu.memory_space<vmem>>, %arg2: memref<2000x1xf32, #tpu.memory_space<vmem>>, %arg3: memref<2000x32xf32, #tpu.memory_space<vmem>>, %arg4: memref<2000x32xf32, #tpu.memory_space<vmem>>) attributes {dimension_semantics = [#tpu.dimension_semantics<arbitrary>], iteration_bounds = array<i64: 5>, scalar_prefetch = 0 : i64, scratch_operands = 0 : i64, tpu.core_type = #tpu.core_type<tc>, window_params = [{transform_indices = @transform_0, window_bounds = array<i64: 2, 2000, 32>}, {transform_indices = @transform_1, window_bounds = array<i64: 2000, 1>}, {transform_indices = @transform_2, window_bounds = array<i64: 2000, 32>}, {transform_indices = @transform_3, window_bounds = array<i64: 2000, 32>}]} {
    %get3A = arith.constant 0 : index
    %get3A_0 = arith.constant 0 : index
    %get3A_1 = arith.constant 0 : index
    %get3A_2 = vector.load %arg1[%get3A, %get3A_0, %get3A_1] : memref<2x2000x32xf32, #tpu.memory_space<vmem>>, vector<1x2000x32xf32>
    %get3A_3 = vector.shape_cast %get3A_2 : vector<1x2000x32xf32> to vector<2000x32xf32>
    %get3A_4 = arith.constant 1 : index
    %get3A_5 = arith.constant 0 : index
    %get3A_6 = arith.constant 0 : index
    %get3A_7 = vector.load %arg1[%get3A_4, %get3A_5, %get3A_6] : memref<2x2000x32xf32, #tpu.memory_space<vmem>>, vector<1x2000x32xf32>
    %get3A_8 = vector.shape_cast %get3A_7 : vector<1x2000x32xf32> to vector<2000x32xf32>
    %add3A = arith.addf %get3A_3, %get3A_8 : vector<2000x32xf32>
    %get3A_9 = arith.constant 0 : index
    %get3A_10 = arith.constant 0 : index
    %get3A_11 = vector.load %arg2[%get3A_9, %get3A_10] : memref<2000x1xf32, #tpu.memory_space<vmem>>, vector<2000x1xf32>
    %mul3A = vector.broadcast %get3A_11 : vector<2000x1xf32> to vector<2000x32xf32>
    %mul3A_12 = arith.mulf %add3A, %mul3A : vector<2000x32xf32>
    %get3A_13 = arith.constant 0 : index
    %get3A_14 = arith.constant 0 : index
    %get3A_15 = vector.load %arg3[%get3A_13, %get3A_14] : memref<2000x32xf32, #tpu.memory_space<vmem>>, vector<2000x32xf32>
    %add3A_16 = arith.addf %mul3A_12, %get3A_15 : vector<2000x32xf32>
    %swap3A = arith.constant 0 : index
    %swap3A_17 = arith.constant 0 : index
    %swap3A_18 = vector.load %arg4[%swap3A, %swap3A_17] : memref<2000x32xf32, #tpu.memory_space<vmem>>, vector<2000x32xf32>
    tpu.vector_store %arg4[%swap3A, %swap3A_17], %add3A_16 {strides = array<i32>} : memref<2000x32xf32, #tpu.memory_space<vmem>>, vector<2000x32xf32>,
    return
  }
  func.func @transform_0(%arg0: i32) -> (i32, i32, i32) {
    %c0_i32 = arith.constant 0 : i32
    %c0_i32_0 = arith.constant 0 : i32
    %c0_i32_1 = arith.constant 0 : i32
    return %c0_i32, %arg0, %c0_i32_0 : i32, i32, i32
  }
  func.func @transform_1(%arg0: i32) -> (i32, i32) {
    %c0_i32 = arith.constant 0 : i32
    %c0_i32_0 = arith.constant 0 : i32
    return %arg0, %c0_i32 : i32, i32
  }
  func.func @transform_2(%arg0: i32) -> (i32, i32) {
    %c0_i32 = arith.constant 0 : i32
    %c0_i32_0 = arith.constant 0 : i32
    return %arg0, %c0_i32 : i32, i32
  }
  func.func @transform_3(%arg0: i32) -> (i32, i32) {
    %c0_i32 = arith.constant 0 : i32
    %c0_i32_0 = arith.constant 0 : i32
    return %arg0, %c0_i32 : i32, i32
  }
}

</mosaic_0001>

<sc_bundles>
// kernel: kernel.10.cloned.1.call-start
scs
__scs_entry_jumppad:
0x0: {  	(pc) =	sbr.rel $0x88, $3  }
0x1: {  	(tag) =	ssettag $0x0;
	lr =	simm.s32 $0x1  }
0x2: {  	[smem:$0x3F99] =	sst lr;
	_ =	strace $0xD0000000  }
0x3: {  	_ = 	snop  }
0x4: {  	_ = 	snop  }
0x5: {  	_ = 	snop  }
0x6: {  	_ = 	snop  }
0x7: {  	_ = 	snop  }
__scs_overlays_trampoline_lowered:
0x8: {  	[smem:$0x3FA8] =	sst s0  }
0x9: {  	[smem:$0x3FA9] =	sst s1  }
0xa: {  	[smem:$0x3FAA] =	sst s2  }
0xb: {  	[smem:$0x3FAB] =	sst s3  }
0xc: {  	[smem:$0x3FAC] =	sst s4  }
0xd: {  	[smem:$0x3FAD] =	sst s5  }
0xe: {  	[smem:$0x3FAE] =	sst s6  }
0xf: {  	[smem:$0x3FAF] =	sst s7  }
0x10: {  	[smem:$0x3FB0] =	sst s8  }
0x11: {  	[smem:$0x3FB1] =	sst s9;
	s0 =	simm.s32 @!p0 $0x0  }
0x12: {  	s1 =	sld [smem:$0x3F97];
	s0 =	simm.s32 @p0 $0x1  }
0x13: {  	[smem:$0x3FB2] =	sst s0;
	s0 =	simm.s32 @!p1 $0x0  }
0x14: {  	s2 =	sld [smem:$0x3F96];
	s0 =	simm.s32 @p1 $0x1  }
0x15: {  	[smem:$0x3FB3] =	sst s0;
	s0 =	simm.s32 @!p2 $0x0  }
0x16: {  	s3 =	sld [smem:$0x3FDB];
	s0 =	simm.s32 @p2 $0x1  }
0x17: {  	s4 =	simm.s32 $0x1BF5;
	[smem:$0x3FB5] =	sst s0  }
0x18: {  	s0 =	sld [smem:$0x3F98];
	_ =	swait.ge [sflag:s4], $0x0  }
0x19: {  	s7 =	sld [smem:$0x3F99]  }
0x1a: {  	s8 =	sadd.s32 $0xFFFFE003, lr  }
0x1b: {  	s9 =	sadd.s32 $0xFFFFFEF7, lr;
	s5 =	simm.s32 $0xFFFFFFFF;
	p2 =	slt.u32 s8, $0xFFFFF086  }
0x1c: {  	p1 =	slt.u32 s9, $0xF7A;
	s5 =	simm.s32 @!p2 $0x0  }
0x1d: {  	s5 =	simm.s32 @p1 $0x1;
	p0 =	seq.s32 s7, s2  }
0x1e: {  	s7 =	smul.u32 @!p0 $0xF7A, s2;
	p2 =	seq.s32 @!p0 s5, $0x0  }
0x1f: {  	s9 =	smul.u32 $0xF7A, s1;
	s8 =	simm.s32 @!p0 $0x1BF5;
	p2 =	por !p2, p0  }
0x20: {  	[sflag:s8] =	ssyncset.s32 @!p0 $0xFFFFF086;
	s6 =	sadd.s32 @!p0 s3, s7;
	s7 =	simm.s32 @!p0 $0x108  }
0x21: {  	s3 =	sadd.s32 s3, s9;
	s6 =	sadd.s32 @!p0 $0x88, s6;
	s7 =	simm.s32 @p2 $0x1082  }
0x22: {  	[simem:s7], [sflag:s8] =	dma.local @!p0 [hbm:s6], $0xF7A  }
0x23: {  	s9 =	sor.u32 $0xD0000000, s2;
	s6 =	simm.s32 $0x108;
	_ =	swait.ge @!p0 [sflag:s8], $0x0  }
0x24: {  	s3 =	sadd.s32 $0x88, s3;
	s6 =	simm.s32 @!p1 $0x1082;
	[sflag:s4] =	ssyncset.s32 $0xFFFFF086  }
0x25: {  	[simem:s6], [sflag:s4] =	dma.local [hbm:s3], $0xF7A  }
0x26: {  	[smem:$0x3F99] =	sst s1;
	(tag) =	ssettag s2;
	_ =	strace s9  }
0x27: {  	s1 =	sld [smem:$0x3FA9]  }
0x28: {  	s2 =	sld [smem:$0x3FAA]  }
0x29: {  	s4 =	sld [smem:$0x3FAC]  }
0x2a: {  	p0 =	seq.s32 s5, $0x0;
	s5 =	sld [smem:$0x3FAD]  }
0x2b: {  	s6 =	sld [smem:$0x3FAE]  }
0x2c: {  	s7 =	sld [smem:$0x3FAF]  }
0x2d: {  	s3 =	simm.s32 $0x108;
	s8 =	sld [smem:$0x3FB0]  }
0x2e: {  	s3 =	simm.s32 @!p0 $0x1082;
	s9 =	sld [smem:$0x3FB1]  }
0x2f: {  	lr =	sadd.s32 s0, s3;
	s0 =	sld [smem:$0x3FA8]  }
0x30: {  	s3 =	sld [smem:$0x3FAB]  }
0x31: {  	[smem:$0x3FB4] =	sst s10  }
0x32: {  	s10 =	sld [smem:$0x3FB2];
	_ =	sdelay $0x3  }
0x33: {  	p0 =	seq.s32 s10, $0x1;
	s10 =	sld [smem:$0x3FB4];
	_ =	sdelay $0x3  }
0x34: {  	[smem:$0x3FB4] =	sst s10  }
0x35: {  	s10 =	sld [smem:$0x3FB3];
	_ =	sdelay $0x3  }
0x36: {  	p1 =	seq.s32 s10, $0x1;
	s10 =	sld [smem:$0x3FB4];
	_ =	sdelay $0x3  }
0x37: {  	[smem:$0x3FB4] =	sst s10  }
0x38: {  	s10 =	sld [smem:$0x3FB5]  }
0x39: {  	_ = 	snop;
	(pc) =	sbr.ind lr, $3  }
0x3a: {  	_ = 	snop  }
0x3b: {  	_ = 	snop  }
0x3c: {  	p2 =	seq.s32 s10, $0x1;
	s10 =	sld [smem:$0x3FB4]  }
0x3d: {  	_ =	shalt  }
0x3e: {  	_ =	shalt  }
0x3f: {  	_ =	shalt  }
0x40: {  	_ =	shalt  }
0x41: {  	_ =	shalt  }
0x42: {  	_ =	shalt  }
0x43: {  	_ =	shalt  }
0x44: {  	_ =	shalt  }
0x45: {  	_ =	shalt  }
0x46: {  	_ =	shalt  }
0x47: {  	_ =	shalt  }
0x48: {  	_ =	shalt  }
0x49: {  	_ =	shalt  }
0x4a: {  	_ =	shalt  }
0x4b: {  	_ =	shalt  }
0x4c: {  	_ =	shalt  }
0x4d: {  	_ =	shalt  }
0x4e: {  	_ =	shalt  }
0x4f: {  	_ =	shalt  }
0x50: {  	_ =	shalt  }
0x51: {  	_ =	shalt  }
0x52: {  	_ =	shalt  }
0x53: {  	_ =	shalt  }
0x54: {  	_ =	shalt  }
0x55: {  	_ =	shalt  }
0x56: {  	_ =	shalt  }
0x57: {  	_ =	shalt  }
0x58: {  	_ =	shalt  }
0x59: {  	_ =	shalt  }
0x5a: {  	_ =	shalt  }
0x5b: {  	_ =	shalt  }
0x5c: {  	_ =	shalt  }
0x5d: {  	_ =	shalt  }
0x5e: {  	_ =	shalt  }
0x5f: {  	_ =	shalt  }
0x60: {  	_ =	shalt  }
0x61: {  	_ =	shalt  }
0x62: {  	_ =	shalt  }
0x63: {  	_ =	shalt  }
0x64: {  	_ =	shalt  }
0x65: {  	_ =	shalt  }
0x66: {  	_ =	shalt  }
0x67: {  	_ =	shalt  }
0x68: {  	_ =	shalt  }
0x69: {  	_ =	shalt  }
0x6a: {  	_ =	shalt  }
0x6b: {  	_ =	shalt  }
0x6c: {  	_ =	shalt  }
0x6d: {  	_ =	shalt  }
0x6e: {  	_ =	shalt  }
0x6f: {  	_ =	shalt  }
0x70: {  	_ =	shalt  }
0x71: {  	_ =	shalt  }
0x72: {  	_ =	shalt  }
0x73: {  	_ =	shalt  }
0x74: {  	_ =	shalt  }
0x75: {  	_ =	shalt  }
0x76: {  	_ =	shalt  }
0x77: {  	_ =	shalt  }
0x78: {  	_ =	shalt  }
0x79: {  	_ =	shalt  }
0x7a: {  	_ =	shalt  }
0x7b: {  	_ =	shalt  }
0x7c: {  	_ =	shalt  }
0x7d: {  	_ =	shalt  }
0x7e: {  	_ =	shalt  }
0x7f: {  	_ =	shalt  }
0x80: {  	_ =	shalt  }
0x81: {  	_ =	shalt  }
0x82: {  	_ =	shalt  }
0x83: {  	_ =	shalt  }
0x84: {  	_ =	shalt  }
0x85: {  	_ =	shalt  }
0x86: {  	_ =	shalt  }
0x87: {  	_ =	shalt  }
.Lfunc_end0:
.L_simem_size_0:
called_computation.1_lowered:
.L_overlay_start_0:
0x88: {  	s2 =	sld [smem:$0x3FD9]  }
0x89: {  	s3 =	sld [smem:$0x3FFE];
	_ =	sdelay $0x1  }
0x8a: {  	s1 =	srdreg.scid  }
0x8b: {  	s0 =	sand.u32 $0x1, s1  }
0x8c: {  	s17 =	sshll.u32 s0, $0xA;
	s2 =	sadd.s32 s3, s2  }
0x8d: {  	s2 =	sadd.s32 s2, s17  }
0x8e: {  	[smem:$0x3FC0] =	sst s2  }
0x8f: {  	_ = 	snop  }
0x90: {  	s2 =	sld [smem:$0x3FD0];
	(tm) =	ssettm $0x1  }
0x91: {  	s18 =	sld [smem:$0x3FFB];
	_ =	sdelay $0x3  }
0x92: {  	_ =	strace s18  }
0x93: {  	s3 =	sld [smem:$0x3FFC];
	_ =	sdelay $0x3  }
0x94: {  	_ =	strace s3  }
0x95: {  	s3 =	sld [smem:$0x3FFD];
	_ =	sdelay $0x3  }
0x96: {  	_ =	strace s3  }
0x97: {  	_ =	strace $0x8FFFFFFF  }
0x98: {  	s19 =	sld [smem:$0x3FDB];
	_ =	sdelay $0x1  }
0x99: {  	s4 =	simm.s32 $_scs_section_size  }
0x9a: {  	s5 =	simm.s32 $_size__tile_overlayer_lowered;
	s6 =	simm.s32 $_tile_overlayer_lowered  }
0x9b: {  	s22 =	simm.s32 $0x1BFF;
	s21 =	sshll.u32 s6, $0x1;
	s3 =	sadd.s32 s4, s19  }
0x9c: {  	s7 =	simm.s32 $0x0;
	s20 =	sshll.u32 s5, $0x1;
	s5 =	sadd.s32 s21, s3  }
0x9d: {  	[timem:s7], [sflag:s22] =	dma.local [hbm:s5], s20  }
0x9e: {  	_ =	swait.ge [sflag:s22], s20  }
0x9f: {  	s4 =	ssub.s32 $0x0, s20;
	[sflag:s22] =	ssyncset.done $0x0  }
0xa0: {  	[sflag:s22] =	ssyncadd.s32 s4;
	_ =	sdelay $0x1  }
0xa1: {  	s23 =	simm.s32 $0x1B8B  }
0xa2: {  	_ =	swait.ge [sflag:s23], $0x1  }
0xa3: {  	[sflag:s23] =	ssyncset.done $0x0  }
0xa4: {  	s25 =	simm.s32 $0x1B8E;
	s24 =	sld [smem:$0x3FFE];
	[sflag:s23] =	ssyncadd.s32 $0xFFFFFFFF  }
0xa5: {  	s26 =	simm.s32 $execute0_lowered;
	[smem:$0x3FD2] =	sst s25  }
0xa6: {  	s5 =	sshll.u32 s26, $0x1;
	_ =	strace $0x80000049;
	[dreg:$0x1] =	wrdreg $0xFFFFFFFF  }
0xa7: {  	s28 =	simm.s32 $_size_execute0_lowered;
	s3 =	sadd.s32 s3, s5;
	[dreg:$0x0] =	wrdreg $0x0  }
0xa8: {  	s5 =	sshll.u32 s28, $0x1;
	[dreg:$0x2] =	wrdreg s3  }
0xa9: {  	[dreg:$0x3] =	wrdreg s5  }
0xaa: {  	[dreg:$0x4] =	wrdreg $0xC0  }
0xab: {  	_ =	task [dreg:s7], $0x5FFFF  }
0xac: {  	[dreg:$0x1] =	wrdreg $0xFFFFFFFF  }
0xad: {  	[dreg:$0x0] =	wrdreg $0x60  }
0xae: {  	[dreg:$0x2] =	wrdreg s24  }
0xaf: {  	[dreg:$0x3] =	wrdreg s2  }
0xb0: {  	[dreg:$0x4] =	wrdreg $0xD0000  }
0xb1: {  	[dreg:$0x5] =	wrdreg $0x9  }
0xb2: {  	_ =	task.clear_ibuf [dreg:s7], $0x6FFFF;
	_ =	strace $0x90000049  }
0xb3: {  	s29 =	simm.s32 $0x9;
	_ =	strace $0x8000004B  }
0xb4: {  	_ =	swait.ge [sflag:s29], $0x1  }
0xb5: {  	[sflag:s29] =	ssyncadd.s32 $0xFFFFFFFF  }
0xb6: {  	_ =	strace $0x9000004B  }
0xb7: {  	_ =	sfence  }
0xb8: {  	s30 =	sld [smem:$0x0];
	_ =	sdelay $0x2  }
0xb9: {  	s31 =	sshll.u32 s1, $0xD;
	s1 =	sshrl.u32 s1, $0x2  }
0xba: {  	s3 =	sand.u32 $0x4000, s31;
	s1 =	sadd.s32 s1, s30  }
0xbb: {  	s0 =	sor.u32 s3, s0;
	s1 =	sshll.u32 s1, $0x11  }
0xbc: {  	s0 =	sor.u32 s1, s0  }
0xbd: {  	s0 =	sadd.s32 $0x8F2B, s0  }
0xbe: {  	[sflag:s0] =	ssyncadd.remote.s32 $0x1  }
0xbf: {  	_ =	sfence.sel $0xFFFF  }
0xc0: {  	[dreg:$0x0] =	wrdreg $0xFFFFFFFF;
	(pc) =	sbr.abs _section_cstart, $3  }
0xc1: {  	[dreg:$0x1] =	wrdreg $0xFFFFFFFF  }
0xc2: {  	_ =	task.clear_ibuf [dreg:s7], $0x2FFFF;
	_ =	strace $0x9FFFFFFF  }
0xc3: {  	(tm) =	ssettm $0x7FFFFFFF  }
tec
execute0_lowered:
.L_overlay_start_1:
0x0: {  	(tag) =	ssettag $0x1  }
0x1: {  	s5 =	rddreg [dreg:$0x0]  }
0x2: {  	s2 =	rddreg [dreg:$0x1]  }
0x3: {  	s3 =	rddreg [dreg:$0x2]  }
0x4: {  	s0 =	rddreg [dreg:$0x3];
	s1 =	stileid.u32;
	s4 =	simm.s32 $0x0  }
0x5: {  	s6 =	srdreg.scid;
	s15 =	simm.s32 $0x100;
	s7 =	smul.u32 $0x18, s1  }
0x6: {  	s16 =	simm.s32 $0x9000;
	s17 =	simm.s32 $0x0;
	s8 =	smul.u32 $0x38, s1  }
0x7: {  	[smem:$0x7FF] =	sst s4;
	s6 =	sand.u32 $0x1, s6;
	s9 =	smul.u32 $0x5000, s1  }
0x8: {  	s31 =	sshll.u32 s1, $0x6;
	p0 =	seq.s32 s6, $0x0;
	s28 =	smul.u32 $0x50000, s6  }
0x9: {  	_ =	strace $0x8000004A;
	s6 =	ssub.s32 $0x2, s6;
	s7 =	sadd.s32 $0x380, s7  }
0xa: {  	s29 =	sshrl.u32 s9, $0x3;
	s30 =	sshrl.u32 s6, $0x1;
	s7 =	smov.u32 @p0 s8  }
0xb: {  	s13 =	sadd.s32 s9, s3;
	s8 =	sadd.s32 s9, s28;
	s7 =	sshll.u32 s7, $0x5  }
0xc: {  	s12 =	ssub.s32 s6, s30;
	s8 =	sshrl.u32 s8, $0x3;
	s10 =	sadd.s32 s7, s5  }
0xd: {  	s7 =	sadd.s32 s29, s5;
	s11 =	sadd.s32 s8, s5;
	s5 =	simm.s32 $0x38  }
0xe: {  	s13 =	sshrl.u32 s13, $0x3;
	s5 =	simm.s32 @!p0 $0x18;
	s6 =	sadd.s32 $0x1600, s7  }
0xf: {  	s7 =	sor.u32 $0x1C07, s31;
	s8 =	sadd.s32 $0x1F400, s10;
	s9 =	sadd.s32 $0x15000, s10  }
0x10: {  	s10 =	sadd.s32 $0x29800, s11;
	s11 =	smax.u32 s12, $0x1;
	s14 =	sshll.u32 s5, $0x2  }
0x11: {  	s12 =	sadd.s32 $0xFD, s5;
	[dreg:$0x4] =	wrdreg s14;
	s14 =	simm.s32 $0x7  }
.LBB2_1:
0x12: {  	[spmem:s13], [sflag:s7] =	dma.local [hbm:s6], $0xA00  }
0x13: {  	_ =	swait.ge [sflag:s14], $0xA00  }
0x14: {  	[sflag:s14] =	ssyncset.done $0x0  }
0x15: {  	[sflag:s14] =	ssyncadd.s32 $0xFFFFF600  }
0x16: {  	[bflag:$0x0] =	sbarrier.arrive $0xFFFF  }
0x17: {  	[tilespmem:s4], [sflag:$0x7] =	stream.linear.gather [hbm4b:s8+s4], $0x3800, $0x38;
	[tilespmem:$0x12000] =	vst v63  }
0x18: {  	_ =	swait.ge [sflag:s14], $0x3800  }
0x19: {  	[sflag:s14] =	ssyncset.done $0x0  }
0x1a: {  	s18 =	simm.s32 $0x3800;
	[sflag:s14] =	ssyncadd.s32 $0xFFFFC800  }
0x1b: {  	[tilespmem:s18], [sflag:$0x7] =	stream.linear.gather [hbm4b:s9+s4], $0x3800, $0x38;
	[tilespmem:$0x12000] =	vst v63  }
0x1c: {  	_ =	swait.ge [sflag:s14], $0x3800  }
0x1d: {  	s19 =	simm.s32 $0x7000;
	[sflag:s14] =	ssyncset.done $0x0  }
0x1e: {  	s20 =	simm.s32 $0x200;
	s21 =	simm.s32 $0x2;
	[sflag:s14] =	ssyncadd.s32 $0xFFFFC800  }
0x1f: {  	[tilespmem:s19], [sflag:$0x1] =	stream.indirect.gather [hbm4b:s2+s15], $0x20, s4, s15, $0xb8;
	[tilespmem:$0x12000] =	vst v63  }
0x20: {  	s22 =	simm.s32 $0xB000;
	s23 =	simm.s32 $0x0;
	s24 =	simm.s32 $0x0  }
0x21: {  	[tilespmem:s16], [sflag:$0x2] =	stream.indirect.gather [hbm4b:s2+s15], $0x20, s15, s15, $0xb8;
	[tilespmem:$0x12000] =	vst v63  }
.LBB2_2:
0x22: {  	s25 =	smulhi.u32 $0xAAAAAAAB, s24;
	_ =	sdelay $0x1  }
0x23: {  	s25 =	sshrl.u32 s25, $0x1  }
0x24: {  	s26 =	smul.u32 $0xFFFFFFF4, s25;
	_ =	sdelay $0x1  }
0x25: {  	s28 =	sshra.s32 s23, $0x2;
	s26 =	sshra.s32 s26, $0x2  }
0x26: {  	s25 =	smul.u32 $0xFFFE8000, s25;
	s26 =	sadd.s32 s28, s26  }
0x27: {  	s29 =	smulhi.u32 $0xAAAAAAAB, s21;
	p0 =	sge.u32 s21, s5;
	s28 =	sadd.s32 $0x1, s26  }
0x28: {  	p1 =	seq.s32 @!p0 s23, $0x0;
	s25 =	sshra.s32 s25, $0x2;
	_ =	swait.ge [sflag:s28], $0x2000  }
0x29: {  	s29 =	sshrl.u32 s29, $0x1;
	s25 =	sadd.s32 s25, s19;
	[sflag:s28] =	ssyncset.done $0x0  }
0x2a: {  	s26 =	sadd.s32 $0x4, s26;
	[sflag:s28] =	ssyncadd.s32 $0xFFFFE000;
	s28 =	smul.u32 $0xFFFFFFF4, s29  }
0x2b: {  	[spmem:s3] =	stream.indirect.scatter.add.f32 [tilespmem:s25], [sflag:s26], $0x20, s18, s15, $0xb8;
	[tilespmem:$0x12000] =	vst v63  }
0x2c: {  	p1 =	por p1, p0;
	s25 =	sshra.s32 s28, $0x2  }
0x2d: {  	s29 =	smul.u32 $0xFFFE8000, s29;
	s28 =	sshra.s32 @!p1 s23, $0x2;
	s26 =	sadd.s32 $0x6, s25  }
0x2e: {  	s26 =	sadd.s32 @!p1 s28, s26  }
0x2f: {  	s30 =	sshra.s32 s29, $0x2;
	_ =	swait.ge @!p1 [sflag:s26], $0x2000  }
0x30: {  	s25 =	sadd.s32 $0x3, s25;
	s28 =	sadd.s32 s30, s22;
	[sflag:s26] =	ssyncset.done @!p1 $0x0  }
0x31: {  	s31 =	rddreg [dreg:$0x4];
	[sflag:s26] =	ssyncadd.s32 @!p1 $0xFFFFE000;
	s26 =	sshra.s32 @!p0 s23, $0x2  }
0x32: {  	s23 =	sadd.s32 $0x4, s23;
	s25 =	sadd.s32 @!p0 s26, s25;
	s26 =	simm.s32 @!p0 $0x100  }
0x33: {  	[tilespmem:s28], [sflag:s25] =	stream.indirect.gather @!p0 [hbm4b:s2+s26], $0x20, s20, s26, $0xb8;
	[tilespmem:$0x12000] =	vst v63  }
0x34: {  	p0 =	sne.s32 s31, s23  }
.Ltmp0:
0x35: {  	_ = 	snop;
	(pc) =	sbr.rel @p0 .LBB2_2-.Ltmp0, $3  }
0x36: {  	_ =	sdelay $0x1  }
0x37: {  	s24 =	sadd.s32 $0x1, s24;
	s21 =	sadd.s32 $0x1, s21;
	s19 =	sadd.s32 $0x2000, s19  }
0x38: {  	s18 =	sadd.s32 $0x100, s18;
	s22 =	sadd.s32 $0x2000, s22;
	s20 =	sadd.s32 $0x100, s20  }
0x39: {  	s19 =	sadd.s32 $0x0, s12  }
0x3a: {  	s18 =	simm.s32 $0x1;
	s20 =	sand.u32 $0xFF, s19  }
.LBB2_4:
0x3b: {  	p0 =	sne.s32 s18, $0x2;
	s20 =	smul.u32 $0xAB, s20;
	_ =	sdelay $0x1  }
0x3c: {  	s20 =	sshrl.u32 s20, $0x9  }
0x3d: {  	s20 =	smul.u32 $0x3, s20;
	_ =	sdelay $0x1  }
0x3e: {  	s19 =	ssub.s32 s19, s20  }
.Ltmp1:
0x3f: {  	s19 =	sor.u32 $0x4, s19;
	(pc) =	sbr.rel @p0 .LBB2_4-.Ltmp1, $4  }
0x40: {  	s21 =	sand.u32 $0xFF, s19  }
0x41: {  	_ =	swait.ge [sflag:s21], $0x2000  }
0x42: {  	s19 =	sadd.s32 s18, s12;
	[sflag:s21] =	ssyncset.done $0x0  }
0x43: {  	s18 =	sadd.s32 $0x1, s18;
	s20 =	sand.u32 $0xFF, s19;
	[sflag:s21] =	ssyncadd.s32 $0xFFFFE000  }
0x44: {  	s18 =	smul.u32 $0xAB, s20;
	_ =	sdelay $0x1  }
0x45: {  	s18 =	sshrl.u32 s18, $0x9  }
0x46: {  	s18 =	smul.u32 $0x3, s18;
	_ =	sdelay $0x1  }
0x47: {  	s18 =	ssub.s32 s19, s18  }
0x48: {  	s18 =	sor.u32 $0x4, s18  }
0x49: {  	s18 =	sand.u32 $0xFF, s18  }
0x4a: {  	_ =	swait.ge [sflag:s18], $0x2000  }
0x4b: {  	s17 =	sadd.s32 $0x1, s17;
	[sflag:s18] =	ssyncset.done $0x0  }
0x4c: {  	p0 =	sne.s32 s17, s11;
	[sflag:s18] =	ssyncadd.s32 $0xFFFFE000  }
.Ltmp2:
0x4d: {  	[bflag:$0x0] =	sbarrier.arrive $0xFFFF;
	(pc) =	sbr.rel @p0 .LBB2_1-.Ltmp2, $4  }
0x4e: {  	[hbm:s10], [sflag:s7] =	dma.local [spmem:s13], $0xA00  }
0x4f: {  	_ =	swait.ge [sflag:s14], $0xA00  }
0x50: {  	[sflag:s14] =	ssyncset.done $0x0  }
0x51: {  	[sflag:s14] =	ssyncadd.s32 $0xFFFFF600  }
0x52: {  	_ =	sfence.sel $0x180000  }
0x53: {  	[bflag:$0x0] =	sbarrier.arrive $0xFFFF  }
0x54: {  	p0 =	sne.s32 s1, $0x0;
	_ =	strace $0x9000004A  }
0x55: {  	s0 =	sadd.s32 @!p0 $0x100000, s0;
	[bflag:$0x2] =	sbarrier.arrive $0xFFFF  }
0x56: {  	[sflag:s0] =	ssyncadd.tile.s32 @!p0 $0x1;
	_ =	shalt  }
.Lfunc_end2:
_tile_overlayer_lowered:
.L_overlay_start_2:
0x57: {  	(tag) =	ssettag $0x2  }
0x58: {  	s0 =	rddreg [dreg:$0x0];
	s2 =	stileid.u32  }
0x59: {  	s1 =	rddreg [dreg:$0x1];
	p0 =	sne.s32 s2, $0x0  }
0x5a: {  	s3 =	rddreg [dreg:$0x2];
	[bflag:$0x3] =	sbarrier.arrive $0xFFFF;
	s2 =	simm.s32 @!p0 $0x1C07  }
0x5b: {  	[timem:s3], [sflag:s2] =	dma.local @!p0 [hbm:s0], s1  }
0x5c: {  	s0 =	simm.s32 @!p0 $0x7  }
0x5d: {  	_ =	swait.ge @!p0 [sflag:s0], s1  }
0x5e: {  	s1 =	ssub.s32 @!p0 $0x0, s1;
	[sflag:s0] =	ssyncset.done @!p0 $0x0  }
0x5f: {  	[sflag:s0] =	ssyncadd.s32 @!p0 s1  }
0x60: {  	[bflag:$0x3] =	sbarrier.arrive $0xFFFF  }
0x61: {  	_ =	shalt  }

// kernel: kernel.7.cloned.1.call-start
scs
__scs_entry_jumppad:
0x0: {  	(pc) =	sbr.rel $0x88, $3  }
0x1: {  	(tag) =	ssettag $0x0;
	lr =	simm.s32 $0x1  }
0x2: {  	[smem:$0x3F99] =	sst lr;
	_ =	strace $0xD0000000  }
0x3: {  	_ = 	snop  }
0x4: {  	_ = 	snop  }
0x5: {  	_ = 	snop  }
0x6: {  	_ = 	snop  }
0x7: {  	_ = 	snop  }
__scs_overlays_trampoline_lowered:
0x8: {  	[smem:$0x3FA8] =	sst s0  }
0x9: {  	[smem:$0x3FA9] =	sst s1  }
0xa: {  	[smem:$0x3FAA] =	sst s2  }
0xb: {  	[smem:$0x3FAB] =	sst s3  }
0xc: {  	[smem:$0x3FAC] =	sst s4  }
0xd: {  	[smem:$0x3FAD] =	sst s5  }
0xe: {  	[smem:$0x3FAE] =	sst s6  }
0xf: {  	[smem:$0x3FAF] =	sst s7  }
0x10: {  	[smem:$0x3FB0] =	sst s8  }
0x11: {  	[smem:$0x3FB1] =	sst s9;
	s0 =	simm.s32 @!p0 $0x0  }
0x12: {  	s1 =	sld [smem:$0x3F97];
	s0 =	simm.s32 @p0 $0x1  }
0x13: {  	[smem:$0x3FB2] =	sst s0;
	s0 =	simm.s32 @!p1 $0x0  }
0x14: {  	s2 =	sld [smem:$0x3F96];
	s0 =	simm.s32 @p1 $0x1  }
0x15: {  	[smem:$0x3FB3] =	sst s0;
	s0 =	simm.s32 @!p2 $0x0  }
0x16: {  	s3 =	sld [smem:$0x3FDB];
	s0 =	simm.s32 @p2 $0x1  }
0x17: {  	s4 =	simm.s32 $0x1BF5;
	[smem:$0x3FB5] =	sst s0  }
0x18: {  	s0 =	sld [smem:$0x3F98];
	_ =	swait.ge [sflag:s4], $0x0  }
0x19: {  	s7 =	sld [smem:$0x3F99]  }
0x1a: {  	s8 =	sadd.s32 $0xFFFFE003, lr  }
0x1b: {  	s9 =	sadd.s32 $0xFFFFFEF7, lr;
	s5 =	simm.s32 $0xFFFFFFFF;
	p2 =	slt.u32 s8, $0xFFFFF086  }
0x1c: {  	p1 =	slt.u32 s9, $0xF7A;
	s5 =	simm.s32 @!p2 $0x0  }
0x1d: {  	s5 =	simm.s32 @p1 $0x1;
	p0 =	seq.s32 s7, s2  }
0x1e: {  	s7 =	smul.u32 @!p0 $0xF7A, s2;
	p2 =	seq.s32 @!p0 s5, $0x0  }
0x1f: {  	s9 =	smul.u32 $0xF7A, s1;
	s8 =	simm.s32 @!p0 $0x1BF5;
	p2 =	por !p2, p0  }
0x20: {  	[sflag:s8] =	ssyncset.s32 @!p0 $0xFFFFF086;
	s6 =	sadd.s32 @!p0 s3, s7;
	s7 =	simm.s32 @!p0 $0x108  }
0x21: {  	s3 =	sadd.s32 s3, s9;
	s6 =	sadd.s32 @!p0 $0x88, s6;
	s7 =	simm.s32 @p2 $0x1082  }
0x22: {  	[simem:s7], [sflag:s8] =	dma.local @!p0 [hbm:s6], $0xF7A  }
0x23: {  	s9 =	sor.u32 $0xD0000000, s2;
	s6 =	simm.s32 $0x108;
	_ =	swait.ge @!p0 [sflag:s8], $0x0  }
0x24: {  	s3 =	sadd.s32 $0x88, s3;
	s6 =	simm.s32 @!p1 $0x1082;
	[sflag:s4] =	ssyncset.s32 $0xFFFFF086  }
0x25: {  	[simem:s6], [sflag:s4] =	dma.local [hbm:s3], $0xF7A  }
0x26: {  	[smem:$0x3F99] =	sst s1;
	(tag) =	ssettag s2;
	_ =	strace s9  }
0x27: {  	s1 =	sld [smem:$0x3FA9]  }
0x28: {  	s2 =	sld [smem:$0x3FAA]  }
0x29: {  	s4 =	sld [smem:$0x3FAC]  }
0x2a: {  	p0 =	seq.s32 s5, $0x0;
	s5 =	sld [smem:$0x3FAD]  }
0x2b: {  	s6 =	sld [smem:$0x3FAE]  }
0x2c: {  	s7 =	sld [smem:$0x3FAF]  }
0x2d: {  	s3 =	simm.s32 $0x108;
	s8 =	sld [smem:$0x3FB0]  }
0x2e: {  	s3 =	simm.s32 @!p0 $0x1082;
	s9 =	sld [smem:$0x3FB1]  }
0x2f: {  	lr =	sadd.s32 s0, s3;
	s0 =	sld [smem:$0x3FA8]  }
0x30: {  	s3 =	sld [smem:$0x3FAB]  }
0x31: {  	[smem:$0x3FB4] =	sst s10  }
0x32: {  	s10 =	sld [smem:$0x3FB2];
	_ =	sdelay $0x3  }
0x33: {  	p0 =	seq.s32 s10, $0x1;
	s10 =	sld [smem:$0x3FB4];
	_ =	sdelay $0x3  }
0x34: {  	[smem:$0x3FB4] =	sst s10  }
0x35: {  	s10 =	sld [smem:$0x3FB3];
	_ =	sdelay $0x3  }
0x36: {  	p1 =	seq.s32 s10, $0x1;
	s10 =	sld [smem:$0x3FB4];
	_ =	sdelay $0x3  }
0x37: {  	[smem:$0x3FB4] =	sst s10  }
0x38: {  	s10 =	sld [smem:$0x3FB5]  }
0x39: {  	_ = 	snop;
	(pc) =	sbr.ind lr, $3  }
0x3a: {  	_ = 	snop  }
0x3b: {  	_ = 	snop  }
0x3c: {  	p2 =	seq.s32 s10, $0x1;
	s10 =	sld [smem:$0x3FB4]  }
0x3d: {  	_ =	shalt  }
0x3e: {  	_ =	shalt  }
0x3f: {  	_ =	shalt  }
0x40: {  	_ =	shalt  }
0x41: {  	_ =	shalt  }
0x42: {  	_ =	shalt  }
0x43: {  	_ =	shalt  }
0x44: {  	_ =	shalt  }
0x45: {  	_ =	shalt  }
0x46: {  	_ =	shalt  }
0x47: {  	_ =	shalt  }
0x48: {  	_ =	shalt  }
0x49: {  	_ =	shalt  }
0x4a: {  	_ =	shalt  }
0x4b: {  	_ =	shalt  }
0x4c: {  	_ =	shalt  }
0x4d: {  	_ =	shalt  }
0x4e: {  	_ =	shalt  }
0x4f: {  	_ =	shalt  }
0x50: {  	_ =	shalt  }
0x51: {  	_ =	shalt  }
0x52: {  	_ =	shalt  }
0x53: {  	_ =	shalt  }
0x54: {  	_ =	shalt  }
0x55: {  	_ =	shalt  }
0x56: {  	_ =	shalt  }
0x57: {  	_ =	shalt  }
0x58: {  	_ =	shalt  }
0x59: {  	_ =	shalt  }
0x5a: {  	_ =	shalt  }
0x5b: {  	_ =	shalt  }
0x5c: {  	_ =	shalt  }
0x5d: {  	_ =	shalt  }
0x5e: {  	_ =	shalt  }
0x5f: {  	_ =	shalt  }
0x60: {  	_ =	shalt  }
0x61: {  	_ =	shalt  }
0x62: {  	_ =	shalt  }
0x63: {  	_ =	shalt  }
0x64: {  	_ =	shalt  }
0x65: {  	_ =	shalt  }
0x66: {  	_ =	shalt  }
0x67: {  	_ =	shalt  }
0x68: {  	_ =	shalt  }
0x69: {  	_ =	shalt  }
0x6a: {  	_ =	shalt  }
0x6b: {  	_ =	shalt  }
0x6c: {  	_ =	shalt  }
0x6d: {  	_ =	shalt  }
0x6e: {  	_ =	shalt  }
0x6f: {  	_ =	shalt  }
0x70: {  	_ =	shalt  }
0x71: {  	_ =	shalt  }
0x72: {  	_ =	shalt  }
0x73: {  	_ =	shalt  }
0x74: {  	_ =	shalt  }
0x75: {  	_ =	shalt  }
0x76: {  	_ =	shalt  }
0x77: {  	_ =	shalt  }
0x78: {  	_ =	shalt  }
0x79: {  	_ =	shalt  }
0x7a: {  	_ =	shalt  }
0x7b: {  	_ =	shalt  }
0x7c: {  	_ =	shalt  }
0x7d: {  	_ =	shalt  }
0x7e: {  	_ =	shalt  }
0x7f: {  	_ =	shalt  }
0x80: {  	_ =	shalt  }
0x81: {  	_ =	shalt  }
0x82: {  	_ =	shalt  }
0x83: {  	_ =	shalt  }
0x84: {  	_ =	shalt  }
0x85: {  	_ =	shalt  }
0x86: {  	_ =	shalt  }
0x87: {  	_ =	shalt  }
.Lfunc_end0:
.L_simem_size_0:
called_computation_lowered:
.L_overlay_start_0:
0x88: {  	s2 =	sld [smem:$0x3FD9]  }
0x89: {  	s3 =	sld [smem:$0x3FFE];
	_ =	sdelay $0x1  }
0x8a: {  	s1 =	srdreg.scid  }
0x8b: {  	s0 =	sand.u32 $0x1, s1  }
0x8c: {  	s17 =	sshll.u32 s0, $0xA;
	s2 =	sadd.s32 s3, s2  }
0x8d: {  	s2 =	sadd.s32 s2, s17  }
0x8e: {  	[smem:$0x3FC0] =	sst s2  }
0x8f: {  	_ = 	snop  }
0x90: {  	s2 =	sld [smem:$0x3FD0];
	(tm) =	ssettm $0x1  }
0x91: {  	s18 =	sld [smem:$0x3FFB];
	_ =	sdelay $0x3  }
0x92: {  	_ =	strace s18  }
0x93: {  	s3 =	sld [smem:$0x3FFC];
	_ =	sdelay $0x3  }
0x94: {  	_ =	strace s3  }
0x95: {  	s3 =	sld [smem:$0x3FFD];
	_ =	sdelay $0x3  }
0x96: {  	_ =	strace s3  }
0x97: {  	_ =	strace $0x8FFFFFFF  }
0x98: {  	s19 =	sld [smem:$0x3FDB];
	_ =	sdelay $0x1  }
0x99: {  	s4 =	simm.s32 $_scs_section_size  }
0x9a: {  	s5 =	simm.s32 $_size__tile_overlayer_lowered;
	s6 =	simm.s32 $_tile_overlayer_lowered  }
0x9b: {  	s22 =	simm.s32 $0x1BFF;
	s21 =	sshll.u32 s6, $0x1;
	s3 =	sadd.s32 s4, s19  }
0x9c: {  	s7 =	simm.s32 $0x0;
	s20 =	sshll.u32 s5, $0x1;
	s5 =	sadd.s32 s21, s3  }
0x9d: {  	[timem:s7], [sflag:s22] =	dma.local [hbm:s5], s20  }
0x9e: {  	_ =	swait.ge [sflag:s22], s20  }
0x9f: {  	s4 =	ssub.s32 $0x0, s20;
	[sflag:s22] =	ssyncset.done $0x0  }
0xa0: {  	[sflag:s22] =	ssyncadd.s32 s4;
	_ =	sdelay $0x1  }
0xa1: {  	s23 =	simm.s32 $0x1B8B  }
0xa2: {  	_ =	swait.ge [sflag:s23], $0x1  }
0xa3: {  	[sflag:s23] =	ssyncset.done $0x0  }
0xa4: {  	s25 =	simm.s32 $0x1B8E;
	s24 =	sld [smem:$0x3FFE];
	[sflag:s23] =	ssyncadd.s32 $0xFFFFFFFF  }
0xa5: {  	s26 =	simm.s32 $execute0_lowered;
	[smem:$0x3FD2] =	sst s25  }
0xa6: {  	s5 =	sshll.u32 s26, $0x1;
	_ =	strace $0x80000046;
	[dreg:$0x1] =	wrdreg $0xFFFFFFFF  }
0xa7: {  	s28 =	simm.s32 $_size_execute0_lowered;
	s3 =	sadd.s32 s3, s5;
	[dreg:$0x0] =	wrdreg $0x0  }
0xa8: {  	s5 =	sshll.u32 s28, $0x1;
	[dreg:$0x2] =	wrdreg s3  }
0xa9: {  	[dreg:$0x3] =	wrdreg s5  }
0xaa: {  	[dreg:$0x4] =	wrdreg $0xC0  }
0xab: {  	_ =	task [dreg:s7], $0x5FFFF  }
0xac: {  	[dreg:$0x1] =	wrdreg $0xFFFFFFFF  }
0xad: {  	[dreg:$0x0] =	wrdreg $0x60  }
0xae: {  	[dreg:$0x2] =	wrdreg s24  }
0xaf: {  	[dreg:$0x3] =	wrdreg s2  }
0xb0: {  	[dreg:$0x4] =	wrdreg $0x131000  }
0xb1: {  	[dreg:$0x5] =	wrdreg $0x1D1000  }
0xb2: {  	[dreg:$0x6] =	wrdreg $0x9  }
0xb3: {  	_ =	task.clear_ibuf [dreg:s7], $0x7FFFF;
	_ =	strace $0x90000046  }
0xb4: {  	s29 =	simm.s32 $0x9;
	_ =	strace $0x80000048  }
0xb5: {  	_ =	swait.ge [sflag:s29], $0x1  }
0xb6: {  	[sflag:s29] =	ssyncadd.s32 $0xFFFFFFFF  }
0xb7: {  	_ =	strace $0x90000048  }
0xb8: {  	_ =	sfence  }
0xb9: {  	s30 =	sld [smem:$0x0];
	_ =	sdelay $0x2  }
0xba: {  	s31 =	sshll.u32 s1, $0xD;
	s1 =	sshrl.u32 s1, $0x2  }
0xbb: {  	s3 =	sand.u32 $0x4000, s31;
	s1 =	sadd.s32 s1, s30  }
0xbc: {  	s0 =	sor.u32 s3, s0;
	s1 =	sshll.u32 s1, $0x11  }
0xbd: {  	s0 =	sor.u32 s1, s0  }
0xbe: {  	s0 =	sadd.s32 $0x8F2B, s0  }
0xbf: {  	[sflag:s0] =	ssyncadd.remote.s32 $0x1  }
0xc0: {  	_ =	sfence.sel $0xFFFF  }
0xc1: {  	[dreg:$0x0] =	wrdreg $0xFFFFFFFF;
	(pc) =	sbr.abs _section_cstart, $3  }
0xc2: {  	[dreg:$0x1] =	wrdreg $0xFFFFFFFF  }
0xc3: {  	_ =	task.clear_ibuf [dreg:s7], $0x2FFFF;
	_ =	strace $0x9FFFFFFF  }
0xc4: {  	(tm) =	ssettm $0x7FFFFFFF  }
0xc5: {  	_ =	shalt  }
tec
execute0_lowered:
.L_overlay_start_1:
0x0: {  	(tag) =	ssettag $0x1  }
0x1: {  	s6 =	rddreg [dreg:$0x0]  }
0x2: {  	s13 =	rddreg [dreg:$0x1]  }
0x3: {  	s2 =	rddreg [dreg:$0x2]  }
0x4: {  	s3 =	rddreg [dreg:$0x3];
	s0 =	stileid.u32  }
0x5: {  	s5 =	srdreg.scid;
	s7 =	smul.u32 $0x18, s0  }
0x6: {  	s4 =	simm.s32 $0x0;
	s8 =	sand.u32 $0x1, s5;
	s5 =	smul.u32 $0x38, s0  }
0x7: {  	s21 =	simm.s32 $0x13000;
	s22 =	simm.s32 $0x0;
	s9 =	smul.u32 $0xA000, s0  }
0x8: {  	[smem:$0x7FF] =	sst s4;
	s10 =	smul.u32 $0x280, s0;
	s28 =	sshll.u32 s0, $0x6  }
0x9: {  	p0 =	seq.s32 s8, $0x0;
	_ =	strace $0x80000047;
	s11 =	smul.u32 $0xA0000, s8  }
0xa: {  	s15 =	ssub.s32 $0x2, s8;
	s29 =	smul.u32 $0x2800, s8;
	s8 =	sor.u32 $0x1C08, s28  }
0xb: {  	[dreg:$0x5] =	wrdreg s21;
	s21 =	simm.s32 $0x7;
	s7 =	sadd.s32 $0x380, s7  }
0xc: {  	s26 =	sshrl.u32 s9, $0x3;
	s14 =	sshrl.u32 s10, $0x3;
	s16 =	sshrl.u32 s15, $0x1  }
0xd: {  	s18 =	sadd.s32 s9, s2;
	s19 =	sadd.s32 s10, s3;
	s7 =	smov.u32 @p0 s5  }
0xe: {  	s11 =	sadd.s32 s9, s11;
	s14 =	sadd.s32 s14, s6;
	s15 =	ssub.s32 s15, s16  }
0xf: {  	s30 =	sadd.s32 s10, s29;
	s16 =	sshrl.u32 s18, $0x3;
	s18 =	sshrl.u32 s19, $0x3  }
0x10: {  	s19 =	simm.s32 $0x100;
	s5 =	sshll.u32 s7, $0x5;
	s7 =	sadd.s32 s26, s6  }
0x11: {  	s11 =	sshrl.u32 s11, $0x3;
	s9 =	sadd.s32 $0x3D800, s14;
	s14 =	sshrl.u32 s30, $0x3  }
0x12: {  	s12 =	sadd.s32 s5, s6;
	s5 =	sadd.s32 $0x1600, s6;
	s17 =	sadd.s32 s11, s6  }
0x13: {  	s6 =	simm.s32 $0x38;
	s7 =	sadd.s32 $0x29800, s7;
	s13 =	sadd.s32 s13, s14  }
0x14: {  	s14 =	smax.u32 s15, $0x1;
	s6 =	simm.s32 @!p0 $0x18;
	s10 =	sadd.s32 $0x1F400, s12  }
0x15: {  	s11 =	sadd.s32 $0x15000, s12;
	s12 =	sadd.s32 $0x3DE00, s17;
	s31 =	sshll.u32 s6, $0x2  }
0x16: {  	v0 =	vimm.f32 $1.000000000e+00;
	s17 =	simm.s32 $0x8;
	s15 =	sadd.s32 $0xFD, s6;
	[dreg:$0x6] =	wrdreg s31  }
.LBB2_1:
0x17: {  	[spmem:s16], [sflag:s8] =	dma.local [hbm:s7], $0x1400  }
0x18: {  	_ =	swait.ge [sflag:s17], $0x1400  }
0x19: {  	[sflag:s17] =	ssyncset.done $0x0  }
0x1a: {  	[sflag:s17] =	ssyncadd.s32 $0xFFFFEC00  }
0x1b: {  	[spmem:s18], [sflag:s8] =	dma.local [hbm:s9], $0x50  }
0x1c: {  	_ =	swait.ge [sflag:s17], $0x50  }
0x1d: {  	[sflag:s17] =	ssyncset.done $0x0  }
0x1e: {  	[sflag:s17] =	ssyncadd.s32 $0xFFFFFFB0  }
0x1f: {  	[tilespmem:$0x13000] =	vst v0  }
0x20: {  	[tilespmem:$0x13010] =	vst v0  }
0x21: {  	[tilespmem:$0x13020] =	vst v0  }
0x22: {  	[tilespmem:$0x13030] =	vst v0  }
0x23: {  	[tilespmem:$0x13040] =	vst v0  }
0x24: {  	[tilespmem:$0x13050] =	vst v0  }
0x25: {  	[tilespmem:$0x13060] =	vst v0  }
0x26: {  	[tilespmem:$0x13070] =	vst v0  }
0x27: {  	[tilespmem:$0x13080] =	vst v0  }
0x28: {  	[tilespmem:$0x13090] =	vst v0  }
0x29: {  	[tilespmem:$0x130A0] =	vst v0  }
0x2a: {  	[tilespmem:$0x130B0] =	vst v0  }
0x2b: {  	[tilespmem:$0x130C0] =	vst v0  }
0x2c: {  	[tilespmem:$0x130D0] =	vst v0  }
0x2d: {  	[tilespmem:$0x130E0] =	vst v0  }
0x2e: {  	[tilespmem:$0x130F0] =	vst v0  }
0x2f: {  	[bflag:$0x0] =	sbarrier.arrive $0xFFFF  }
0x30: {  	[tilespmem:s4], [sflag:$0x8] =	stream.linear.gather [hbm4b:s10+s4], $0x3800, $0x38;
	[tilespmem:$0x1D380] =	vst v63  }
0x31: {  	_ =	swait.ge [sflag:s17], $0x3800  }
0x32: {  	[sflag:s17] =	ssyncset.done $0x0  }
0x33: {  	s23 =	simm.s32 $0x3800;
	[sflag:s17] =	ssyncadd.s32 $0xFFFFC800  }
0x34: {  	[tilespmem:s23], [sflag:$0x8] =	stream.linear.gather [hbm4b:s11+s4], $0x3800, $0x38;
	[tilespmem:$0x1D380] =	vst v63  }
0x35: {  	_ =	swait.ge [sflag:s17], $0x3800  }
0x36: {  	s24 =	simm.s32 $0x7000;
	s0 =	simm.s32 $0xB000;
	[sflag:s17] =	ssyncset.done $0x0  }
0x37: {  	s25 =	simm.s32 $0x200;
	s26 =	simm.s32 $0x2;
	[sflag:s17] =	ssyncadd.s32 $0xFFFFC800  }
0x38: {  	[tilespmem:s24], [sflag:$0x1] =	stream.indirect.gather [hbm4b:s5+s19], $0x40, s4, s19, $0xb8;
	[tilespmem:$0x1D380] =	vst v63  }
0x39: {  	s28 =	simm.s32 $0xF000;
	s29 =	simm.s32 $0x0;
	s30 =	simm.s32 $0x0  }
0x3a: {  	[tilespmem:s0], [sflag:$0x2] =	stream.indirect.gather [hbm4b:s5+s19], $0x40, s19, s19, $0xb8;
	[tilespmem:$0x1D380] =	vst v63  }
.LBB2_2:
0x3b: {  	s31 =	smulhi.u32 $0xAAAAAAAB, s30;
	_ =	sdelay $0x1  }
0x3c: {  	s31 =	sshrl.u32 s31, $0x1  }
0x3d: {  	s0 =	smul.u32 $0xFFFFFFF4, s31;
	_ =	sdelay $0x1  }
0x3e: {  	s1 =	sshra.s32 s29, $0x2;
	s0 =	sshra.s32 s0, $0x2  }
0x3f: {  	s0 =	sadd.s32 s1, s0  }
0x40: {  	s20 =	smul.u32 $0xFFFD0000, s31;
	s31 =	sadd.s32 $0x1, s0  }
0x41: {  	_ =	swait.ge [sflag:s31], $0x4000  }
0x42: {  	s1 =	sshra.s32 s20, $0x2;
	s20 =	smulhi.u32 $0xAAAAAAAB, s26;
	[sflag:s31] =	ssyncset.done $0x0  }
0x43: {  	s1 =	sadd.s32 s1, s24;
	s0 =	sadd.s32 $0x4, s0;
	[sflag:s31] =	ssyncadd.s32 $0xFFFFC000  }
0x44: {  	[spmem:s2] =	stream.indirect.scatter.add.f32 [tilespmem:s1], [sflag:s0], $0x40, s23, s19, $0xb8;
	[tilespmem:$0x1D380] =	vst v63  }
0x45: {  	s31 =	rddreg [dreg:$0x5];
	s0 =	sshrl.u32 s20, $0x1  }
0x46: {  	[spmem:s3] =	stream.indirect.scatter.add.f32 [tilespmem:s31], [sflag:$0x7], $0x1, s23, s19, $0xb8;
	[tilespmem:$0x1D380] =	vst v63  }
0x47: {  	p0 =	sge.u32 s26, s6;
	s31 =	smul.u32 $0xFFFFFFF4, s0  }
0x48: {  	p1 =	seq.s32 @!p0 s29, $0x0  }
0x49: {  	p1 =	por p1, p0;
	s1 =	sshra.s32 s31, $0x2  }
0x4a: {  	s0 =	smul.u32 $0xFFFD0000, s0;
	s31 =	sshra.s32 @!p1 s29, $0x2;
	s20 =	sadd.s32 $0x6, s1  }
0x4b: {  	s20 =	sadd.s32 @!p1 s31, s20  }
0x4c: {  	s0 =	sshra.s32 s0, $0x2;
	_ =	swait.ge @!p1 [sflag:s20], $0x4000  }
0x4d: {  	s1 =	sadd.s32 $0x3, s1;
	s0 =	sadd.s32 s0, s28;
	[sflag:s20] =	ssyncset.done @!p1 $0x0  }
0x4e: {  	s31 =	rddreg [dreg:$0x6];
	[sflag:s20] =	ssyncadd.s32 @!p1 $0xFFFFC000;
	s20 =	sshra.s32 @!p0 s29, $0x2  }
0x4f: {  	s29 =	sadd.s32 $0x4, s29;
	s1 =	sadd.s32 @!p0 s20, s1;
	s20 =	simm.s32 @!p0 $0x100  }
0x50: {  	[tilespmem:s0], [sflag:s1] =	stream.indirect.gather @!p0 [hbm4b:s5+s20], $0x40, s25, s20, $0xb8;
	[tilespmem:$0x1D380] =	vst v63  }
0x51: {  	p0 =	sne.s32 s31, s29  }
.Ltmp0:
0x52: {  	_ = 	snop;
	(pc) =	sbr.rel @p0 .LBB2_2-.Ltmp0, $3  }
0x53: {  	_ =	sdelay $0x1  }
0x54: {  	s30 =	sadd.s32 $0x1, s30;
	s26 =	sadd.s32 $0x1, s26;
	s24 =	sadd.s32 $0x4000, s24  }
0x55: {  	s23 =	sadd.s32 $0x100, s23;
	s28 =	sadd.s32 $0x4000, s28;
	s25 =	sadd.s32 $0x100, s25  }
0x56: {  	s24 =	sadd.s32 $0x0, s15  }
0x57: {  	s23 =	simm.s32 $0x1;
	s25 =	sand.u32 $0xFF, s24  }
.LBB2_4:
0x58: {  	p0 =	sne.s32 s23, $0x2;
	s0 =	smul.u32 $0xAB, s25;
	_ =	sdelay $0x1  }
0x59: {  	s0 =	sshrl.u32 s0, $0x9  }
0x5a: {  	s0 =	smul.u32 $0x3, s0;
	_ =	sdelay $0x1  }
0x5b: {  	s0 =	ssub.s32 s24, s0  }
.Ltmp1:
0x5c: {  	s0 =	sor.u32 $0x4, s0;
	(pc) =	sbr.rel @p0 .LBB2_4-.Ltmp1, $4  }
0x5d: {  	s0 =	sand.u32 $0xFF, s0  }
0x5e: {  	_ =	swait.ge [sflag:s0], $0x4000  }
0x5f: {  	s24 =	sadd.s32 s23, s15;
	[sflag:s0] =	ssyncset.done $0x0  }
0x60: {  	s23 =	sadd.s32 $0x1, s23;
	s25 =	sand.u32 $0xFF, s24;
	[sflag:s0] =	ssyncadd.s32 $0xFFFFC000  }
0x61: {  	s0 =	smul.u32 $0xAB, s25;
	_ =	sdelay $0x1  }
0x62: {  	s0 =	sshrl.u32 s0, $0x9  }
0x63: {  	s0 =	smul.u32 $0x3, s0;
	_ =	sdelay $0x1  }
0x64: {  	s0 =	ssub.s32 s24, s0  }
0x65: {  	s0 =	sor.u32 $0x4, s0  }
0x66: {  	p0 =	sne.s32 s6, $0x1;
	s0 =	sand.u32 $0xFF, s0  }
.Ltmp2:
0x67: {  	_ =	swait.ge [sflag:s0], $0x4000;
	(pc) =	sbr.rel @!p0 .LBB2_7-.Ltmp2, $4  }
0x68: {  	[sflag:s0] =	ssyncset.done $0x0  }
0x69: {  	[sflag:s0] =	ssyncadd.s32 $0xFFFFC000  }
0x6a: {  	_ =	swait.ge [sflag:s21], $0x100  }
0x6b: {  	s23 =	sadd.s32 $0xFFFFFFFF, s6;
	[sflag:s21] =	ssyncset.done $0x0  }
.LBB2_6:
0x6c: {  	p0 =	sne.s32 s23, $0x1;
	s23 =	sadd.s32 $0xFFFFFFFF, s23;
	[sflag:s21] =	ssyncadd.s32 $0xFFFFFF00  }
.Ltmp3:
0x6d: {  	(pc) =	sbr.rel @p0 .LBB2_6-.Ltmp3, $3  }
0x6e: {  	_ =	sdelay $0x1  }
0x6f: {  	_ =	swait.ge [sflag:s21], $0x100  }
0x70: {  	[sflag:s21] =	ssyncset.done $0x0  }
.LBB2_7:
0x71: {  	[sflag:s21] =	ssyncadd.s32 $0xFFFFFF00  }
0x72: {  	[bflag:$0x0] =	sbarrier.arrive $0xFFFF  }
0x73: {  	[hbm:s12], [sflag:s8] =	dma.local [spmem:s16], $0x1400  }
0x74: {  	s22 =	sadd.s32 $0x1, s22;
	_ =	swait.ge [sflag:s17], $0x1400  }
0x75: {  	p0 =	sne.s32 s22, s14;
	[sflag:s17] =	ssyncset.done $0x0  }
.Ltmp4:
0x76: {  	[sflag:s17] =	ssyncadd.s32 $0xFFFFEC00;
	(pc) =	sbr.rel @p0 .LBB2_1-.Ltmp4, $4  }
0x77: {  	[hbm:s13], [sflag:s8] =	dma.local [spmem:s18], $0x50  }
0x78: {  	_ =	swait.ge [sflag:s17], $0x50  }
0x79: {  	[sflag:s17] =	ssyncset.done $0x0  }
0x7a: {  	[sflag:s17] =	ssyncadd.s32 $0xFFFFFFB0  }
0x7b: {  	_ =	sfence.sel $0x180000  }
0x7c: {  	[bflag:$0x0] =	sbarrier.arrive $0xFFFF  }
0x7d: {  	_ =	strace $0x90000047  }
0x7e: {  	s0 =	stileid.u32;
	[bflag:$0x2] =	sbarrier.arrive $0xFFFF  }
0x7f: {  	p0 =	sne.s32 s0, $0x0;
	s0 =	rddreg [dreg:$0x4]  }
0x80: {  	s0 =	sadd.s32 @!p0 $0x100000, s0  }
0x81: {  	[sflag:s0] =	ssyncadd.tile.s32 @!p0 $0x1;
	_ =	shalt  }
.Lfunc_end2:
_tile_overlayer_lowered:
.L_overlay_start_2:
0x82: {  	(tag) =	ssettag $0x2  }
0x83: {  	s0 =	rddreg [dreg:$0x0];
	s2 =	stileid.u32  }
0x84: {  	s1 =	rddreg [dreg:$0x1];
	p0 =	sne.s32 s2, $0x0  }
0x85: {  	s3 =	rddreg [dreg:$0x2];
	[bflag:$0x3] =	sbarrier.arrive $0xFFFF;
	s2 =	simm.s32 @!p0 $0x1C08  }
0x86: {  	[timem:s3], [sflag:s2] =	dma.local @!p0 [hbm:s0], s1  }
0x87: {  	s0 =	simm.s32 @!p0 $0x8  }
0x88: {  	_ =	swait.ge @!p0 [sflag:s0], s1  }
0x89: {  	s1 =	ssub.s32 @!p0 $0x0, s1;
	[sflag:s0] =	ssyncset.done @!p0 $0x0  }
0x8a: {  	[sflag:s0] =	ssyncadd.s32 @!p0 s1  }
0x8b: {  	[bflag:$0x3] =	sbarrier.arrive $0xFFFF  }
0x8c: {  	_ =	shalt  }

</sc_bundles>
